<compile_context>
chip_gen: v7x
topology: tpu7x:2x2x1
jax: 0.10.2.dev20260603
libtpu: 0.0.44.dev20260713+nightly
codegen_flags: <defaults>
</compile_context>

<pallas_src>
import jax
import jax.numpy as jnp
from jax import lax
from jax.experimental import pallas as pl
from jax.experimental.pallas import tpu as pltpu
from jax.experimental.pallas import tpu_sc as plsc

B, L, D = 16, 2048, 1024
NS = 8
CHUNK = 1024
NJ = L // CHUNK


def _sums_body(ids_ref, x_ref, o_ref, cnt_ref, first_ref):
    j = pl.program_id(1)
    x = jnp.abs(x_ref[0])
    ids = ids_ref[0]
    iota = lax.broadcasted_iota(jnp.int32, (NS, CHUNK), 0)
    m = iota == ids
    oh = m.astype(jnp.float32)
    acc = jnp.dot(oh, x, preferred_element_type=jnp.float32)
    cnt = jnp.broadcast_to(jnp.sum(oh, axis=1, keepdims=True), (NS, 128))
    pos = j * CHUNK + lax.broadcasted_iota(jnp.int32, (NS, CHUNK), 1)
    first = jnp.broadcast_to(
        jnp.min(jnp.where(m, pos, L), axis=1, keepdims=True), (NS, 128))

    @pl.when(j == 0)
    def _():
        o_ref[0] = acc
        cnt_ref[0] = cnt
        first_ref[0] = first

    @pl.when(j != 0)
    def _():
        o_ref[0] = o_ref[0] + acc
        cnt_ref[0] = cnt_ref[0] + cnt
        first_ref[0] = jnp.minimum(first_ref[0], first)


def _segment_sums(inputs, step_ids):
    ids3 = step_ids.reshape(B * NJ, 1, CHUNK)
    return pl.pallas_call(
        _sums_body,
        grid=(B, NJ),
        in_specs=[
            pl.BlockSpec((1, 1, CHUNK), lambda b, j: (b * NJ + j, 0, 0)),
            pl.BlockSpec((1, CHUNK, D), lambda b, j: (b, j, 0)),
        ],
        out_specs=[
            pl.BlockSpec((1, NS, D), lambda b, j: (b, 0, 0)),
            pl.BlockSpec((1, NS, 128), lambda b, j: (b, 0, 0)),
            pl.BlockSpec((1, NS, 128), lambda b, j: (b, 0, 0)),
        ],
        out_shape=[
            jax.ShapeDtypeStruct((B, NS, D), jnp.float32),
            jax.ShapeDtypeStruct((B, NS, 128), jnp.float32),
            jax.ShapeDtypeStruct((B, NS, 128), jnp.int32),
        ],
    )(ids3, inputs)


def _sc_loss_body(cnt_hbm, first_hbm, sums_hbm, lab_hbm, out_hbm,
                  cnt1k_v, first1k_v, idx_v, rows_v, sortv_v, cntr_v,
                  part_v, coll_v, lab_v, out_v, shared, sem):
    c = lax.axis_index("c")
    sid = lax.axis_index("s")
    lane = lax.iota(jnp.int32, 16)
    SENT = jnp.int32(2 ** 30)

    @pl.when(c == 0)
    def _active():
        b = sid
        pltpu.sync_copy(lab_hbm, lab_v)
        pltpu.sync_copy(cnt_hbm.at[pl.ds(b * NS * 128, NS * 128)], cnt1k_v)
        pltpu.sync_copy(first_hbm.at[pl.ds(b * NS * 128, NS * 128)],
                        first1k_v)

        stepidx = jnp.minimum(lane + 1, NS - 1) * 128
        cnt_vec = jnp.where(lane < NS - 1,
                            plsc.load_gather(cnt1k_v, [stepidx]), 0.0)
        first_vec = plsc.load_gather(first1k_v, [stepidx])

        key = jnp.where(lane < NS - 1, first_vec * NS + lane + 1, SENT)
        vals = lane + 1
        _, sorted_vals = plsc.sort_key_val(key, vals)

        cnt_f = jnp.maximum(cnt_vec, 1.0)
        cntr_v[...] = 1.0 / cnt_f
        sortv_v[...] = sorted_vals
        next_vals = plsc.load_gather(sortv_v, [jnp.minimum(lane + 1, 15)])

        K = jnp.sum(jnp.where(cnt_vec > 0, 1, 0).astype(jnp.int32))
        valid = jnp.logical_and(lane + 1 < K, lane < NS - 2)
        desc = jnp.logical_and(sorted_vals > next_vals, valid)
        dcnt = jnp.sum(jnp.where(desc, 1, 0).astype(jnp.int32))

        idx_v[...] = b * NS + jnp.where(lane < NS - 1, sorted_vals, 0)
        pltpu.async_copy(sums_hbm.at[idx_v], rows_v, sem).wait()

        inv_rank = plsc.load_gather(cntr_v, [(sorted_vals - 1) & 15])
        invs = [jnp.sum(jnp.where(lane == r, inv_rank, 0.0))
                for r in range(NS - 1)]

        def e_body(j, accs):
            rows = [rows_v[r, pl.ds(j * 16, 16)] * invs[r]
                    for r in range(NS - 1)]
            new = []
            for i in range(NS - 2):
                d = jnp.maximum(rows[i] - rows[i + 1], 0.0)
                new.append(accs[i] + d * d)
            return tuple(new)

        accs = lax.fori_loop(
            0, D // 16, e_body,
            tuple(jnp.zeros((16,), jnp.float32) for _ in range(NS - 2)))

        E_vec = jnp.zeros((16,), jnp.float32)
        for i in range(NS - 2):
            e_i = jnp.sum(accs[i]) * (1.0 / D)
            E_vec = E_vec + jnp.where(lane == i, e_i, 0.0)

        valid_f = valid.astype(jnp.float32)
        desc_f = desc.astype(jnp.float32)
        tA_num = jnp.sum(E_vec * valid_f)
        tB_num = jnp.sum(jnp.maximum(1.0 - E_vec, 0.0) * desc_f)
        denA = jnp.maximum(K.astype(jnp.float32) - 1.0, 1.0)
        denB = jnp.maximum(dcnt.astype(jnp.float32), 1.0)
        num_vec = (jnp.where(lane == 0, tA_num, 0.0)
                   + jnp.where(lane == 1, tB_num, 0.0))
        den_vec = jnp.where(lane == 0, denA,
                            jnp.where(lane == 1, denB, 1.0))
        terms_vec = num_vec / den_vec

        lab_b = jnp.sum(jnp.where(lane == b, lab_v[...], 0))
        gAf = jnp.logical_and(lab_b == 1, K >= 2).astype(jnp.float32)
        gBf = jnp.logical_and(lab_b == 0, dcnt > 0).astype(jnp.float32)
        gates = (jnp.where(lane == 0, gAf, 0.0)
                 + jnp.where(lane == 1, gBf, 0.0))
        part_v[...] = (terms_vec * gates
                       + jnp.where(lane == 2, gAf + gBf, 0.0))
        pltpu.sync_copy(part_v, shared.at[b])

    plsc.subcore_barrier()

    @pl.when(jnp.logical_and(c == 0, sid == 0))
    def _finish():
        pltpu.sync_copy(shared, coll_v)
        acc = jnp.zeros((16,), jnp.float32)
        for r in range(16):
            acc = acc + coll_v[r, :]
        total = jnp.sum(jnp.where(lane <= 1, acc, 0.0))
        num = jnp.sum(jnp.where(lane == 2, acc, 0.0))
        res_vec = (jnp.where(lane == 0, total, 0.0)
                   / jnp.where(lane == 0, num + 1e-9, 1.0))
        out_v[...] = res_vec
        pltpu.sync_copy(out_v, out_hbm)


def _loss_epilogue_sc(cnt, first, sums, binary_labels):
    mesh = plsc.VectorSubcoreMesh(core_axis_name="c", subcore_axis_name="s")
    f = pl.kernel(
        _sc_loss_body,
        out_type=jax.ShapeDtypeStruct((16,), jnp.float32),
        mesh=mesh,
        compiler_params=pltpu.CompilerParams(needs_layout_passes=False,
                                             use_tc_tiling_on_sc=False),
        scratch_types=[
            pltpu.VMEM((NS * 128,), jnp.float32),
            pltpu.VMEM((NS * 128,), jnp.int32),
            pltpu.VMEM((16,), jnp.int32),
            pltpu.VMEM((16, D), jnp.float32),
            pltpu.VMEM((16,), jnp.int32),
            pltpu.VMEM((16,), jnp.float32),
            pltpu.VMEM((16,), jnp.float32),
            pltpu.VMEM((16, 16), jnp.float32),
            pltpu.VMEM((16,), jnp.int32),
            pltpu.VMEM((16,), jnp.float32),
            pltpu.VMEM_SHARED((16, 16), jnp.float32),
            pltpu.SemaphoreType.DMA,
        ],
    )
    out = f(cnt.reshape(B * NS * 128), first.reshape(B * NS * 128),
            sums.reshape(B * NS, D), binary_labels)
    return out[0]


def kernel(inputs, step_ids, binary_labels):
    sums, cnt, first = _segment_sums(inputs, step_ids)
    return _loss_epilogue_sc(cnt, first, sums, binary_labels)

# --- scband reference (transcript-rebuilt; emitter-appended) ---
"""Pipeline reference for scband-max-margin-loss-30709016166644 (READ-ONLY COPY).

The authoritative reference and input builder live on the scoring server;
editing this copy changes nothing except your own understanding.
"""

import jax, jax.numpy as jnp
import numpy as np

ALPHA = 1.0


def _E(x, y):
    return jnp.mean(jnp.square(jax.nn.relu(y - x)), axis=-1)


def _get_step_embeddings(hidden_states, step_ids_np):
    H_list, order_list = [], []
    B = step_ids_np.shape[0]
    for b in range(B):
        row = step_ids_np[b]
        nz = row[row != 0]
        seen = set()
        seq = []
        for x in nz.tolist():
            if x not in seen:
                seen.add(x)
                seq.append(x)
        if len(seq) < 2:
            continue
        h = []
        for s in seq:
            idx = np.where(row == s)[0]
            h.append(jnp.mean(hidden_states[b][idx], axis=0))
        H_list.append(jnp.stack(h))
        order_list.append(seq)
    return H_list, order_list


def setup_inputs(seed: int = 0):
    key = jax.random.key(seed)
    k1, k2, k3 = jax.random.split(key, 3)
    inputs = jax.random.normal(k1, (16, 2048, 1024), dtype=jnp.float32)
    step_ids = jax.random.randint(k2, (16, 2048), 0, 8, dtype=jnp.int32)
    binary_labels = jax.random.randint(k3, (16,), 0, 2, dtype=jnp.int32)
    return {"inputs": inputs, "step_ids": step_ids, "binary_labels": binary_labels}


def reference(inputs, step_ids, binary_labels):
    # activations == 'non-negative', no projection
    inputs = jnp.abs(inputs)
    B, L, D = inputs.shape
    S = 7  # step ids drawn from [0, 8); nonzero ids are 1..7
    steps = jnp.arange(1, S + 1, dtype=step_ids.dtype)
    positions = jnp.arange(L)
    E_list, valid_list, vals_list, K_list = [], [], [], []
    for b in range(B):
        row = step_ids[b]
        hid = inputs[b]
        m = row[None, :] == steps[:, None]  # (S, L)
        cnt = jnp.sum(m, axis=1)  # (S,)
        Hb = jnp.sum(jnp.where(m[:, :, None], hid[None, :, :], 0.0), axis=1)
        Hb = Hb / jnp.maximum(cnt, 1)[:, None]  # (S, D) mean per present step
        first = jnp.min(jnp.where(m, positions[None, :], L), axis=1)  # (S,)
        order = jnp.argsort(first)  # first-appearance order; absent steps last
        Hs = Hb[order]
        vals = steps[order]
        K = jnp.sum(cnt > 0)
        pair_valid = (jnp.arange(S - 1) + 1) < K  # (S-1,)
        E_list.append(_E(Hs[1:, :], Hs[:-1, :]))
        valid_list.append(pair_valid)
        vals_list.append(vals)
        K_list.append(K)
    total = jnp.asarray(0.0, dtype=jnp.float32)
    num = jnp.asarray(0.0, dtype=jnp.float32)
    for b in range(B):
        K = K_list[b]
        has = (binary_labels[b] == 1) & (K >= 2)
        term = jnp.sum(E_list[b] * valid_list[b]) / jnp.maximum(K - 1, 1)
        total = total + jnp.where(has, term, 0.0)
        num = num + jnp.where(has, 1.0, 0.0)
    for b in range(B):
        vals = vals_list[b]
        desc = (vals[:-1] > vals[1:]) & valid_list[b]
        dcnt = jnp.sum(desc)
        has = (binary_labels[b] == 0) & (dcnt > 0)
        term = jnp.sum(jax.nn.relu(ALPHA - E_list[b]) * desc) / jnp.maximum(dcnt, 1)
        total = total + jnp.where(has, term, 0.0)
        num = num + jnp.where(has, 1.0, 0.0)
    return total / (num + 1e-9)

if __name__ == "__main__":
    import jax
    _d = setup_inputs()
    print(jax.jit(kernel)(*tuple(_d.values())))

</pallas_src>

<mosaic_0001>
#map = affine_map<(d0, d1) -> (0)>
#map1 = affine_map<(d0, d1) -> (0, 0)>
module attributes {stable_mosaic.version = 14 : i64} {
  func.func @_sc_loss_body(%arg0: i32, %arg1: i32, %arg2: memref<16384xf32, #tpu.memory_space<hbm>>, %arg3: memref<16384xi32, #tpu.memory_space<hbm>>, %arg4: memref<128x1024xf32, #tpu.memory_space<hbm>>, %arg5: memref<16xi32, #tpu.memory_space<hbm>>, %arg6: memref<16xf32, #tpu.memory_space<hbm>>, %arg7: memref<1024xf32, #tpu.memory_space<vmem>>, %arg8: memref<1024xi32, #tpu.memory_space<vmem>>, %arg9: memref<16xi32, #tpu.memory_space<vmem>>, %arg10: memref<16x1024xf32, #tpu.memory_space<vmem>>, %arg11: memref<16xi32, #tpu.memory_space<vmem>>, %arg12: memref<16xf32, #tpu.memory_space<vmem>>, %arg13: memref<16xf32, #tpu.memory_space<vmem>>, %arg14: memref<16x16xf32, #tpu.memory_space<vmem>>, %arg15: memref<16xi32, #tpu.memory_space<vmem>>, %arg16: memref<16xf32, #tpu.memory_space<vmem>>, %arg17: memref<16x16xf32, #tpu.memory_space<vmem_shared>>, %arg18: memref<!tpu.dma_semaphore, #tpu.memory_space<semaphore_mem>>) attributes {dimension_semantics = [#tpu.dimension_semantics<core_parallel>, #tpu.dimension_semantics<subcore_parallel>], iteration_bounds = array<i64: 2, 16>, scalar_prefetch = 0 : i64, scratch_operands = 12 : i64, tpu.core_type = #tpu.core_type<sc_vector_subcore>, window_params = [{transform_indices = #map}, {transform_indices = #map}, {transform_indices = #map1}, {transform_indices = #map}, {transform_indices = #map}]} {
    %iota3A = tpu.iota {dimensions = array<i32: 0>} : vector<16xi32>
    %eq3A = arith.constant 0 : i32
    %eq3A_0 = arith.cmpi eq, %arg0, %eq3A : i32
    %convert_element_type3A = arith.extui %eq3A_0 : i1 to i32
    %cond3A = arith.constant 1073741824 : i32
    %cond3A_1 = arith.constant 0 : i32
    %cond3A_2 = arith.cmpi ne, %convert_element_type3A, %cond3A_1 : i32
    scf.if %cond3A_2 {
      "tpu.region"() ({
        %run_scoped3A = tpu.sem_alloc : memref<!tpu.dma_semaphore, #tpu.memory_space<semaphore_mem>>
        tpu.enqueue_dma source(%arg5 : memref<16xi32, #tpu.memory_space<hbm>>) target(%arg15 : memref<16xi32, #tpu.memory_space<vmem>>) target_semaphore(%run_scoped3A : memref<!tpu.dma_semaphore, #tpu.memory_space<semaphore_mem>>)
        tpu.wait_dma2 semaphore(%run_scoped3A : memref<!tpu.dma_semaphore, #tpu.memory_space<semaphore_mem>>) src(%arg5 : memref<16xi32, #tpu.memory_space<hbm>>) dst(%arg15 : memref<16xi32, #tpu.memory_space<vmem>>)
        tpu.yield
      }) : () -> ()
      %mul3A = arith.constant 8 : i32
      %mul3A_10 = arith.muli %arg1, %mul3A : i32
      %mul3A_11 = arith.constant 128 : i32
      %mul3A_12 = arith.muli %mul3A_10, %mul3A_11 : i32
      "tpu.region"() ({
        %run_scoped3A = tpu.sem_alloc : memref<!tpu.dma_semaphore, #tpu.memory_space<semaphore_mem>>
        %dma_start3A_394 = tpu.memref_slice %arg2[%mul3A_12] : memref<16384xf32, #tpu.memory_space<hbm>> -> memref<1024xf32, #tpu.memory_space<hbm>>
        %dma_start3A_395 = tpu.memref_slice %arg2[%mul3A_12] : memref<16384xf32, #tpu.memory_space<hbm>> -> memref<1024xf32, #tpu.memory_space<hbm>>
        tpu.enqueue_dma source(%dma_start3A_395 : memref<1024xf32, #tpu.memory_space<hbm>>) target(%arg7 : memref<1024xf32, #tpu.memory_space<vmem>>) target_semaphore(%run_scoped3A : memref<!tpu.dma_semaphore, #tpu.memory_space<semaphore_mem>>)
        %dma_wait3A_396 = tpu.memref_slice %arg2[%mul3A_12] : memref<16384xf32, #tpu.memory_space<hbm>> -> memref<1024xf32, #tpu.memory_space<hbm>>
        %dma_wait3A_397 = tpu.memref_slice %arg2[%mul3A_12] : memref<16384xf32, #tpu.memory_space<hbm>> -> memref<1024xf32, #tpu.memory_space<hbm>>
        tpu.wait_dma2 semaphore(%run_scoped3A : memref<!tpu.dma_semaphore, #tpu.memory_space<semaphore_mem>>) src(%dma_wait3A_397 : memref<1024xf32, #tpu.memory_space<hbm>>) dst(%arg7 : memref<1024xf32, #tpu.memory_space<vmem>>)
        tpu.yield
      }) : () -> ()
      %mul3A_13 = arith.constant 8 : i32
      %mul3A_14 = arith.muli %arg1, %mul3A_13 : i32
      %mul3A_15 = arith.constant 128 : i32
      %mul3A_16 = arith.muli %mul3A_14, %mul3A_15 : i32
      "tpu.region"() ({
        %run_scoped3A = tpu.sem_alloc : memref<!tpu.dma_semaphore, #tpu.memory_space<semaphore_mem>>
        %dma_start3A_394 = tpu.memref_slice %arg3[%mul3A_16] : memref<16384xi32, #tpu.memory_space<hbm>> -> memref<1024xi32, #tpu.memory_space<hbm>>
        %dma_start3A_395 = tpu.memref_slice %arg3[%mul3A_16] : memref<16384xi32, #tpu.memory_space<hbm>> -> memref<1024xi32, #tpu.memory_space<hbm>>
        tpu.enqueue_dma source(%dma_start3A_395 : memref<1024xi32, #tpu.memory_space<hbm>>) target(%arg8 : memref<1024xi32, #tpu.memory_space<vmem>>) target_semaphore(%run_scoped3A : memref<!tpu.dma_semaphore, #tpu.memory_space<semaphore_mem>>)
        %dma_wait3A_396 = tpu.memref_slice %arg3[%mul3A_16] : memref<16384xi32, #tpu.memory_space<hbm>> -> memref<1024xi32, #tpu.memory_space<hbm>>
        %dma_wait3A_397 = tpu.memref_slice %arg3[%mul3A_16] : memref<16384xi32, #tpu.memory_space<hbm>> -> memref<1024xi32, #tpu.memory_space<hbm>>
        tpu.wait_dma2 semaphore(%run_scoped3A : memref<!tpu.dma_semaphore, #tpu.memory_space<semaphore_mem>>) src(%dma_wait3A_397 : memref<1024xi32, #tpu.memory_space<hbm>>) dst(%arg8 : memref<1024xi32, #tpu.memory_space<vmem>>)
        tpu.yield
      }) : () -> ()
      %add3A = arith.constant 1 : i32
      %add3A_17 = vector.broadcast %add3A : i32 to vector<16xi32>
      %add3A_18 = arith.addi %iota3A, %add3A_17 : vector<16xi32>
      %min3A = arith.constant 7 : i32
      %min3A_19 = vector.broadcast %min3A : i32 to vector<16xi32>
      %min3A_20 = arith.minsi %add3A_18, %min3A_19 : vector<16xi32>
      %mul3A_21 = arith.constant 128 : i32
      %mul3A_22 = vector.broadcast %mul3A_21 : i32 to vector<16xi32>
      %mul3A_23 = arith.muli %min3A_20, %mul3A_22 : vector<16xi32>
      %lt3A = arith.constant 7 : i32
      %lt3A_24 = vector.broadcast %lt3A : i32 to vector<16xi32>
      %lt3A_25 = arith.cmpi slt, %iota3A, %lt3A_24 : vector<16xi32>
      %gather3A = tpu.vector_load_idx %arg7[%mul3A_23] : memref<1024xf32, #tpu.memory_space<vmem>>[vector<16xi32>], vector<16xf32>,
      %jit3A = arith.constant 0.000000e+00 : f32
      %broadcast_in_dim3A = vector.broadcast %jit3A : f32 to vector<16xf32>
      %select_n3A = arith.select %lt3A_25, %gather3A, %broadcast_in_dim3A : vector<16xi1>, vector<16xf32>
      %gather3A_26 = tpu.vector_load_idx %arg8[%mul3A_23] : memref<1024xi32, #tpu.memory_space<vmem>>[vector<16xi32>], vector<16xi32>,
      %lt3A_27 = arith.constant 7 : i32
      %lt3A_28 = vector.broadcast %lt3A_27 : i32 to vector<16xi32>
      %lt3A_29 = arith.cmpi slt, %iota3A, %lt3A_28 : vector<16xi32>
      %mul3A_30 = arith.constant 8 : i32
      %mul3A_31 = vector.broadcast %mul3A_30 : i32 to vector<16xi32>
      %mul3A_32 = arith.muli %gather3A_26, %mul3A_31 : vector<16xi32>
      %add3A_33 = arith.addi %mul3A_32, %iota3A : vector<16xi32>
      %add3A_34 = arith.constant 1 : i32
      %add3A_35 = vector.broadcast %add3A_34 : i32 to vector<16xi32>
      %add3A_36 = arith.addi %add3A_33, %add3A_35 : vector<16xi32>
      %broadcast_in_dim3A_37 = vector.broadcast %cond3A : i32 to vector<16xi32>
      %select_n3A_38 = arith.select %lt3A_29, %add3A_36, %broadcast_in_dim3A_37 : vector<16xi1>, vector<16xi32>
      %add3A_39 = arith.constant 1 : i32
      %add3A_40 = vector.broadcast %add3A_39 : i32 to vector<16xi32>
      %add3A_41 = arith.addi %iota3A, %add3A_40 : vector<16xi32>
      %masked_sort3A = arith.constant dense<true> : vector<16xi1>
      %masked_sort3A_42 = arith.constant -2147483648 : i32
      %masked_sort3A_43 = vector.broadcast %masked_sort3A_42 : i32 to vector<16xi32>
      %masked_sort3A_44 = arith.xori %select_n3A_38, %masked_sort3A_43 : vector<16xi32>
      %masked_sort3A_45, %masked_sort3A_46, %masked_sort3A_47 = tpu.sort %masked_sort3A_44, %add3A_41 masked %masked_sort3A : (vector<16xi32>, vector<16xi32>, vector<16xi1>) -> (vector<16xi1>, vector<16xi32>, vector<16xi32>)
      %masked_sort3A_48 = arith.xori %masked_sort3A_46, %masked_sort3A_43 : vector<16xi32>
      %max3A = arith.constant 1.000000e+00 : f32
      %max3A_49 = vector.broadcast %max3A : f32 to vector<16xf32>
      %max3A_50 = arith.maximumf %select_n3A, %max3A_49 : vector<16xf32>
      %div3A = arith.constant 1.000000e+00 : f32
      %div3A_51 = vector.broadcast %div3A : f32 to vector<16xf32>
      %div3A_52 = arith.divf %div3A_51, %max3A_50 : vector<16xf32>
      %swap3A = arith.constant 0 : index
      %swap3A_53 = tpu.vector_load %arg12[%swap3A] {strides = array<i32>} : memref<16xf32, #tpu.memory_space<vmem>>, vector<16xf32>,
      tpu.vector_store %arg12[%swap3A], %div3A_52 {strides = array<i32>} : memref<16xf32, #tpu.memory_space<vmem>>, vector<16xf32>,
      %swap3A_54 = arith.constant 0 : index
      %swap3A_55 = tpu.vector_load %arg11[%swap3A_54] {strides = array<i32>} : memref<16xi32, #tpu.memory_space<vmem>>, vector<16xi32>,
      tpu.vector_store %arg11[%swap3A_54], %masked_sort3A_47 {strides = array<i32>} : memref<16xi32, #tpu.memory_space<vmem>>, vector<16xi32>,
      %add3A_56 = arith.constant 1 : i32
      %add3A_57 = vector.broadcast %add3A_56 : i32 to vector<16xi32>
      %add3A_58 = arith.addi %iota3A, %add3A_57 : vector<16xi32>
      %min3A_59 = arith.constant 15 : i32
      %min3A_60 = vector.broadcast %min3A_59 : i32 to vector<16xi32>
      %min3A_61 = arith.minsi %add3A_58, %min3A_60 : vector<16xi32>
      %gather3A_62 = tpu.vector_load_idx %arg11[%min3A_61] : memref<16xi32, #tpu.memory_space<vmem>>[vector<16xi32>], vector<16xi32>,
      %gt3A = arith.constant 0.000000e+00 : f32
      %gt3A_63 = vector.broadcast %gt3A : f32 to vector<16xf32>
      %gt3A_64 = arith.cmpf ogt, %select_n3A, %gt3A_63 : vector<16xf32>
      %jit3A_65 = arith.constant 1 : i32
      %jit3A_66 = arith.constant 0 : i32
      %broadcast_in_dim3A_67 = vector.broadcast %jit3A_65 : i32 to vector<16xi32>
      %broadcast_in_dim3A_68 = vector.broadcast %jit3A_66 : i32 to vector<16xi32>
      %select_n3A_69 = arith.select %gt3A_64, %broadcast_in_dim3A_67, %broadcast_in_dim3A_68 : vector<16xi1>, vector<16xi32>
      %reduce_sum3A = arith.constant true
      %reduce_sum3A_70 = vector.broadcast %reduce_sum3A : i1 to vector<16xi1>
      %reduce_sum3A_71 = tpu.scan <sum>, %select_n3A_69 masked %reduce_sum3A_70 : vector<16xi32>, vector<16xi1> -> vector<16xi32>
      %reduce_sum3A_72 = vector.extract %reduce_sum3A_71[15] : i32 from vector<16xi32>
      %add3A_73 = arith.constant 1 : i32
      %add3A_74 = vector.broadcast %add3A_73 : i32 to vector<16xi32>
      %add3A_75 = arith.addi %iota3A, %add3A_74 : vector<16xi32>
      %lt3A_76 = vector.broadcast %reduce_sum3A_72 : i32 to vector<16xi32>
      %lt3A_77 = arith.cmpi slt, %add3A_75, %lt3A_76 : vector<16xi32>
      %lt3A_78 = arith.constant 6 : i32
      %lt3A_79 = vector.broadcast %lt3A_78 : i32 to vector<16xi32>
      %lt3A_80 = arith.cmpi slt, %iota3A, %lt3A_79 : vector<16xi32>
      %and3A_81 = arith.andi %lt3A_77, %lt3A_80 : vector<16xi1>
      %gt3A_82 = arith.cmpi sgt, %masked_sort3A_47, %gather3A_62 : vector<16xi32>
      %and3A_83 = arith.andi %gt3A_82, %and3A_81 : vector<16xi1>
      %jit3A_84 = arith.constant 1 : i32
      %jit3A_85 = arith.constant 0 : i32
      %broadcast_in_dim3A_86 = vector.broadcast %jit3A_84 : i32 to vector<16xi32>
      %broadcast_in_dim3A_87 = vector.broadcast %jit3A_85 : i32 to vector<16xi32>
      %select_n3A_88 = arith.select %and3A_83, %broadcast_in_dim3A_86, %broadcast_in_dim3A_87 : vector<16xi1>, vector<16xi32>
      %reduce_sum3A_89 = arith.constant true
      %reduce_sum3A_90 = vector.broadcast %reduce_sum3A_89 : i1 to vector<16xi1>
      %reduce_sum3A_91 = tpu.scan <sum>, %select_n3A_88 masked %reduce_sum3A_90 : vector<16xi32>, vector<16xi1> -> vector<16xi32>
      %reduce_sum3A_92 = vector.extract %reduce_sum3A_91[15] : i32 from vector<16xi32>
      %mul3A_93 = arith.constant 8 : i32
      %mul3A_94 = arith.muli %arg1, %mul3A_93 : i32
      %lt3A_95 = arith.constant 7 : i32
      %lt3A_96 = vector.broadcast %lt3A_95 : i32 to vector<16xi32>
      %lt3A_97 = arith.cmpi slt, %iota3A, %lt3A_96 : vector<16xi32>
      %jit3A_98 = arith.constant 0 : i32
      %broadcast_in_dim3A_99 = vector.broadcast %jit3A_98 : i32 to vector<16xi32>
      %select_n3A_100 = arith.select %lt3A_97, %masked_sort3A_47, %broadcast_in_dim3A_99 : vector<16xi1>, vector<16xi32>
      %add3A_101 = vector.broadcast %mul3A_94 : i32 to vector<16xi32>
      %add3A_102 = arith.addi %add3A_101, %select_n3A_100 : vector<16xi32>
      %swap3A_103 = arith.constant 0 : index
      %swap3A_104 = tpu.vector_load %arg9[%swap3A_103] {strides = array<i32>} : memref<16xi32, #tpu.memory_space<vmem>>, vector<16xi32>,
      tpu.vector_store %arg9[%swap3A_103], %add3A_102 {strides = array<i32>} : memref<16xi32, #tpu.memory_space<vmem>>, vector<16xi32>,
      %dma_start3A = arith.constant 0 : i32
      %dma_start3A_105 = arith.constant 0 : i32
      %dma_start3A_106 = tpu.memref_slice %arg4[%dma_start3A, %dma_start3A_105] : memref<128x1024xf32, #tpu.memory_space<hbm>> -> memref<128x1024xf32, #tpu.memory_space<hbm>>
      tpu.enqueue_indirect_dma source(%dma_start3A_106 : memref<128x1024xf32, #tpu.memory_space<hbm>>) target(%arg10 : memref<16x1024xf32, #tpu.memory_space<vmem>>) offsets(%arg9 : memref<16xi32, #tpu.memory_space<vmem>>) semaphore(%arg18 : memref<!tpu.dma_semaphore, #tpu.memory_space<semaphore_mem>>)
      %dma_wait3A = arith.constant 0 : i32
      %dma_wait3A_107 = arith.constant 0 : i32
      %dma_wait3A_108 = tpu.memref_slice %arg4[%dma_wait3A, %dma_wait3A_107] : memref<128x1024xf32, #tpu.memory_space<hbm>> -> memref<128x1024xf32, #tpu.memory_space<hbm>>
      tpu.wait_indirect_dma semaphore(%arg18 : memref<!tpu.dma_semaphore, #tpu.memory_space<semaphore_mem>>) src(%dma_wait3A_108 : memref<128x1024xf32, #tpu.memory_space<hbm>>) dst(%arg10 : memref<16x1024xf32, #tpu.memory_space<vmem>>)
      %sub3A = arith.constant 1 : i32
      %sub3A_109 = vector.broadcast %sub3A : i32 to vector<16xi32>
      %sub3A_110 = arith.subi %masked_sort3A_47, %sub3A_109 : vector<16xi32>
      %and3A_111 = arith.constant 15 : i32
      %and3A_112 = vector.broadcast %and3A_111 : i32 to vector<16xi32>
      %and3A_113 = arith.andi %sub3A_110, %and3A_112 : vector<16xi32>
      %gather3A_114 = tpu.vector_load_idx %arg12[%and3A_113] : memref<16xf32, #tpu.memory_space<vmem>>[vector<16xi32>], vector<16xf32>,
      %eq3A_115 = arith.constant 0 : i32
      %eq3A_116 = vector.broadcast %eq3A_115 : i32 to vector<16xi32>
      %eq3A_117 = arith.cmpi eq, %iota3A, %eq3A_116 : vector<16xi32>
      %jit3A_118 = arith.constant 0.000000e+00 : f32
      %broadcast_in_dim3A_119 = vector.broadcast %jit3A_118 : f32 to vector<16xf32>
      %select_n3A_120 = arith.select %eq3A_117, %gather3A_114, %broadcast_in_dim3A_119 : vector<16xi1>, vector<16xf32>
      %reduce_sum3A_121 = arith.constant true
      %reduce_sum3A_122 = vector.broadcast %reduce_sum3A_121 : i1 to vector<16xi1>
      %reduce_sum3A_123 = tpu.scan <sum>, %select_n3A_120 masked %reduce_sum3A_122 : vector<16xf32>, vector<16xi1> -> vector<16xf32>
      %reduce_sum3A_124 = vector.extract %reduce_sum3A_123[15] : f32 from vector<16xf32>
      %eq3A_125 = arith.constant 1 : i32
      %eq3A_126 = vector.broadcast %eq3A_125 : i32 to vector<16xi32>
      %eq3A_127 = arith.cmpi eq, %iota3A, %eq3A_126 : vector<16xi32>
      %jit3A_128 = arith.constant 0.000000e+00 : f32
      %broadcast_in_dim3A_129 = vector.broadcast %jit3A_128 : f32 to vector<16xf32>
      %select_n3A_130 = arith.select %eq3A_127, %gather3A_114, %broadcast_in_dim3A_129 : vector<16xi1>, vector<16xf32>
      %reduce_sum3A_131 = arith.constant true
      %reduce_sum3A_132 = vector.broadcast %reduce_sum3A_131 : i1 to vector<16xi1>
      %reduce_sum3A_133 = tpu.scan <sum>, %select_n3A_130 masked %reduce_sum3A_132 : vector<16xf32>, vector<16xi1> -> vector<16xf32>
      %reduce_sum3A_134 = vector.extract %reduce_sum3A_133[15] : f32 from vector<16xf32>
      %eq3A_135 = arith.constant 2 : i32
      %eq3A_136 = vector.broadcast %eq3A_135 : i32 to vector<16xi32>
      %eq3A_137 = arith.cmpi eq, %iota3A, %eq3A_136 : vector<16xi32>
      %jit3A_138 = arith.constant 0.000000e+00 : f32
      %broadcast_in_dim3A_139 = vector.broadcast %jit3A_138 : f32 to vector<16xf32>
      %select_n3A_140 = arith.select %eq3A_137, %gather3A_114, %broadcast_in_dim3A_139 : vector<16xi1>, vector<16xf32>
      %reduce_sum3A_141 = arith.constant true
      %reduce_sum3A_142 = vector.broadcast %reduce_sum3A_141 : i1 to vector<16xi1>
      %reduce_sum3A_143 = tpu.scan <sum>, %select_n3A_140 masked %reduce_sum3A_142 : vector<16xf32>, vector<16xi1> -> vector<16xf32>
      %reduce_sum3A_144 = vector.extract %reduce_sum3A_143[15] : f32 from vector<16xf32>
      %eq3A_145 = arith.constant 3 : i32
      %eq3A_146 = vector.broadcast %eq3A_145 : i32 to vector<16xi32>
      %eq3A_147 = arith.cmpi eq, %iota3A, %eq3A_146 : vector<16xi32>
      %jit3A_148 = arith.constant 0.000000e+00 : f32
      %broadcast_in_dim3A_149 = vector.broadcast %jit3A_148 : f32 to vector<16xf32>
      %select_n3A_150 = arith.select %eq3A_147, %gather3A_114, %broadcast_in_dim3A_149 : vector<16xi1>, vector<16xf32>
      %reduce_sum3A_151 = arith.constant true
      %reduce_sum3A_152 = vector.broadcast %reduce_sum3A_151 : i1 to vector<16xi1>
      %reduce_sum3A_153 = tpu.scan <sum>, %select_n3A_150 masked %reduce_sum3A_152 : vector<16xf32>, vector<16xi1> -> vector<16xf32>
      %reduce_sum3A_154 = vector.extract %reduce_sum3A_153[15] : f32 from vector<16xf32>
      %eq3A_155 = arith.constant 4 : i32
      %eq3A_156 = vector.broadcast %eq3A_155 : i32 to vector<16xi32>
      %eq3A_157 = arith.cmpi eq, %iota3A, %eq3A_156 : vector<16xi32>
      %jit3A_158 = arith.constant 0.000000e+00 : f32
      %broadcast_in_dim3A_159 = vector.broadcast %jit3A_158 : f32 to vector<16xf32>
      %select_n3A_160 = arith.select %eq3A_157, %gather3A_114, %broadcast_in_dim3A_159 : vector<16xi1>, vector<16xf32>
      %reduce_sum3A_161 = arith.constant true
      %reduce_sum3A_162 = vector.broadcast %reduce_sum3A_161 : i1 to vector<16xi1>
      %reduce_sum3A_163 = tpu.scan <sum>, %select_n3A_160 masked %reduce_sum3A_162 : vector<16xf32>, vector<16xi1> -> vector<16xf32>
      %reduce_sum3A_164 = vector.extract %reduce_sum3A_163[15] : f32 from vector<16xf32>
      %eq3A_165 = arith.constant 5 : i32
      %eq3A_166 = vector.broadcast %eq3A_165 : i32 to vector<16xi32>
      %eq3A_167 = arith.cmpi eq, %iota3A, %eq3A_166 : vector<16xi32>
      %jit3A_168 = arith.constant 0.000000e+00 : f32
      %broadcast_in_dim3A_169 = vector.broadcast %jit3A_168 : f32 to vector<16xf32>
      %select_n3A_170 = arith.select %eq3A_167, %gather3A_114, %broadcast_in_dim3A_169 : vector<16xi1>, vector<16xf32>
      %reduce_sum3A_171 = arith.constant true
      %reduce_sum3A_172 = vector.broadcast %reduce_sum3A_171 : i1 to vector<16xi1>
      %reduce_sum3A_173 = tpu.scan <sum>, %select_n3A_170 masked %reduce_sum3A_172 : vector<16xf32>, vector<16xi1> -> vector<16xf32>
      %reduce_sum3A_174 = vector.extract %reduce_sum3A_173[15] : f32 from vector<16xf32>
      %eq3A_175 = arith.constant 6 : i32
      %eq3A_176 = vector.broadcast %eq3A_175 : i32 to vector<16xi32>
      %eq3A_177 = arith.cmpi eq, %iota3A, %eq3A_176 : vector<16xi32>
      %jit3A_178 = arith.constant 0.000000e+00 : f32
      %broadcast_in_dim3A_179 = vector.broadcast %jit3A_178 : f32 to vector<16xf32>
      %select_n3A_180 = arith.select %eq3A_177, %gather3A_114, %broadcast_in_dim3A_179 : vector<16xi1>, vector<16xf32>
      %reduce_sum3A_181 = arith.constant true
      %reduce_sum3A_182 = vector.broadcast %reduce_sum3A_181 : i1 to vector<16xi1>
      %reduce_sum3A_183 = tpu.scan <sum>, %select_n3A_180 masked %reduce_sum3A_182 : vector<16xf32>, vector<16xi1> -> vector<16xf32>
      %reduce_sum3A_184 = vector.extract %reduce_sum3A_183[15] : f32 from vector<16xf32>
      %broadcast_in_dim3A_185 = arith.constant 0.000000e+00 : f32
      %broadcast_in_dim3A_186 = vector.broadcast %broadcast_in_dim3A_185 : f32 to vector<16xf32>
      %broadcast_in_dim3A_187 = arith.constant 0.000000e+00 : f32
      %broadcast_in_dim3A_188 = vector.broadcast %broadcast_in_dim3A_187 : f32 to vector<16xf32>
      %broadcast_in_dim3A_189 = arith.constant 0.000000e+00 : f32
      %broadcast_in_dim3A_190 = vector.broadcast %broadcast_in_dim3A_189 : f32 to vector<16xf32>
      %broadcast_in_dim3A_191 = arith.constant 0.000000e+00 : f32
      %broadcast_in_dim3A_192 = vector.broadcast %broadcast_in_dim3A_191 : f32 to vector<16xf32>
      %broadcast_in_dim3A_193 = arith.constant 0.000000e+00 : f32
      %broadcast_in_dim3A_194 = vector.broadcast %broadcast_in_dim3A_193 : f32 to vector<16xf32>
      %broadcast_in_dim3A_195 = arith.constant 0.000000e+00 : f32
      %broadcast_in_dim3A_196 = vector.broadcast %broadcast_in_dim3A_195 : f32 to vector<16xf32>
      %scan3A = arith.constant 0 : i32
      %scan3A_197 = arith.constant 64 : i32
      %scan3A_198 = arith.addi %scan3A, %scan3A_197 : i32
      %scan3A_199 = arith.constant 1 : i32
      %scan3A_200:6 = scf.for %scan3A_394 = %scan3A to %scan3A_198 step %scan3A_199 iter_args(%scan3A_395 = %broadcast_in_dim3A_186, %scan3A_396 = %broadcast_in_dim3A_188, %scan3A_397 = %broadcast_in_dim3A_190, %scan3A_398 = %broadcast_in_dim3A_192, %scan3A_399 = %broadcast_in_dim3A_194, %scan3A_400 = %broadcast_in_dim3A_196) -> (vector<16xf32>, vector<16xf32>, vector<16xf32>, vector<16xf32>, vector<16xf32>, vector<16xf32>)  : i32 {
        %mul3A_401 = arith.constant 16 : i32
        %mul3A_402 = arith.muli %scan3A_394, %mul3A_401 : i32
        %get3A_403 = arith.constant 0 : i32
        %get3A_404 = arith.index_cast %get3A_403 : i32 to index
        %get3A_405 = arith.index_cast %mul3A_402 : i32 to index
        %get3A_406 = tpu.vector_load %arg10[%get3A_404, %get3A_405] {strides = array<i32>} : memref<16x1024xf32, #tpu.memory_space<vmem>>, vector<16xf32>,
        %mul3A_407 = vector.broadcast %reduce_sum3A_124 : f32 to vector<16xf32>
        %mul3A_408 = arith.mulf %get3A_406, %mul3A_407 : vector<16xf32>
        %mul3A_409 = arith.constant 16 : i32
        %mul3A_410 = arith.muli %scan3A_394, %mul3A_409 : i32
        %get3A_411 = arith.constant 1 : i32
        %get3A_412 = arith.index_cast %get3A_411 : i32 to index
        %get3A_413 = arith.index_cast %mul3A_410 : i32 to index
        %get3A_414 = tpu.vector_load %arg10[%get3A_412, %get3A_413] {strides = array<i32>} : memref<16x1024xf32, #tpu.memory_space<vmem>>, vector<16xf32>,
        %mul3A_415 = vector.broadcast %reduce_sum3A_134 : f32 to vector<16xf32>
        %mul3A_416 = arith.mulf %get3A_414, %mul3A_415 : vector<16xf32>
        %mul3A_417 = arith.constant 16 : i32
        %mul3A_418 = arith.muli %scan3A_394, %mul3A_417 : i32
        %get3A_419 = arith.constant 2 : i32
        %get3A_420 = arith.index_cast %get3A_419 : i32 to index
        %get3A_421 = arith.index_cast %mul3A_418 : i32 to index
        %get3A_422 = tpu.vector_load %arg10[%get3A_420, %get3A_421] {strides = array<i32>} : memref<16x1024xf32, #tpu.memory_space<vmem>>, vector<16xf32>,
        %mul3A_423 = vector.broadcast %reduce_sum3A_144 : f32 to vector<16xf32>
        %mul3A_424 = arith.mulf %get3A_422, %mul3A_423 : vector<16xf32>
        %mul3A_425 = arith.constant 16 : i32
        %mul3A_426 = arith.muli %scan3A_394, %mul3A_425 : i32
        %get3A_427 = arith.constant 3 : i32
        %get3A_428 = arith.index_cast %get3A_427 : i32 to index
        %get3A_429 = arith.index_cast %mul3A_426 : i32 to index
        %get3A_430 = tpu.vector_load %arg10[%get3A_428, %get3A_429] {strides = array<i32>} : memref<16x1024xf32, #tpu.memory_space<vmem>>, vector<16xf32>,
        %mul3A_431 = vector.broadcast %reduce_sum3A_154 : f32 to vector<16xf32>
        %mul3A_432 = arith.mulf %get3A_430, %mul3A_431 : vector<16xf32>
        %mul3A_433 = arith.constant 16 : i32
        %mul3A_434 = arith.muli %scan3A_394, %mul3A_433 : i32
        %get3A_435 = arith.constant 4 : i32
        %get3A_436 = arith.index_cast %get3A_435 : i32 to index
        %get3A_437 = arith.index_cast %mul3A_434 : i32 to index
        %get3A_438 = tpu.vector_load %arg10[%get3A_436, %get3A_437] {strides = array<i32>} : memref<16x1024xf32, #tpu.memory_space<vmem>>, vector<16xf32>,
        %mul3A_439 = vector.broadcast %reduce_sum3A_164 : f32 to vector<16xf32>
        %mul3A_440 = arith.mulf %get3A_438, %mul3A_439 : vector<16xf32>
        %mul3A_441 = arith.constant 16 : i32
        %mul3A_442 = arith.muli %scan3A_394, %mul3A_441 : i32
        %get3A_443 = arith.constant 5 : i32
        %get3A_444 = arith.index_cast %get3A_443 : i32 to index
        %get3A_445 = arith.index_cast %mul3A_442 : i32 to index
        %get3A_446 = tpu.vector_load %arg10[%get3A_444, %get3A_445] {strides = array<i32>} : memref<16x1024xf32, #tpu.memory_space<vmem>>, vector<16xf32>,
        %mul3A_447 = vector.broadcast %reduce_sum3A_174 : f32 to vector<16xf32>
        %mul3A_448 = arith.mulf %get3A_446, %mul3A_447 : vector<16xf32>
        %mul3A_449 = arith.constant 16 : i32
        %mul3A_450 = arith.muli %scan3A_394, %mul3A_449 : i32
        %get3A_451 = arith.constant 6 : i32
        %get3A_452 = arith.index_cast %get3A_451 : i32 to index
        %get3A_453 = arith.index_cast %mul3A_450 : i32 to index
        %get3A_454 = tpu.vector_load %arg10[%get3A_452, %get3A_453] {strides = array<i32>} : memref<16x1024xf32, #tpu.memory_space<vmem>>, vector<16xf32>,
        %mul3A_455 = vector.broadcast %reduce_sum3A_184 : f32 to vector<16xf32>
        %mul3A_456 = arith.mulf %get3A_454, %mul3A_455 : vector<16xf32>
        %sub3A_457 = arith.subf %mul3A_408, %mul3A_416 : vector<16xf32>
        %max3A_458 = arith.constant 0.000000e+00 : f32
        %max3A_459 = vector.broadcast %max3A_458 : f32 to vector<16xf32>
        %max3A_460 = arith.maximumf %sub3A_457, %max3A_459 : vector<16xf32>
        %mul3A_461 = arith.mulf %max3A_460, %max3A_460 : vector<16xf32>
        %add3A_462 = arith.addf %scan3A_395, %mul3A_461 : vector<16xf32>
        %sub3A_463 = arith.subf %mul3A_416, %mul3A_424 : vector<16xf32>
        %max3A_464 = arith.constant 0.000000e+00 : f32
        %max3A_465 = vector.broadcast %max3A_464 : f32 to vector<16xf32>
        %max3A_466 = arith.maximumf %sub3A_463, %max3A_465 : vector<16xf32>
        %mul3A_467 = arith.mulf %max3A_466, %max3A_466 : vector<16xf32>
        %add3A_468 = arith.addf %scan3A_396, %mul3A_467 : vector<16xf32>
        %sub3A_469 = arith.subf %mul3A_424, %mul3A_432 : vector<16xf32>
        %max3A_470 = arith.constant 0.000000e+00 : f32
        %max3A_471 = vector.broadcast %max3A_470 : f32 to vector<16xf32>
        %max3A_472 = arith.maximumf %sub3A_469, %max3A_471 : vector<16xf32>
        %mul3A_473 = arith.mulf %max3A_472, %max3A_472 : vector<16xf32>
        %add3A_474 = arith.addf %scan3A_397, %mul3A_473 : vector<16xf32>
        %sub3A_475 = arith.subf %mul3A_432, %mul3A_440 : vector<16xf32>
        %max3A_476 = arith.constant 0.000000e+00 : f32
        %max3A_477 = vector.broadcast %max3A_476 : f32 to vector<16xf32>
        %max3A_478 = arith.maximumf %sub3A_475, %max3A_477 : vector<16xf32>
        %mul3A_479 = arith.mulf %max3A_478, %max3A_478 : vector<16xf32>
        %add3A_480 = arith.addf %scan3A_398, %mul3A_479 : vector<16xf32>
        %sub3A_481 = arith.subf %mul3A_440, %mul3A_448 : vector<16xf32>
        %max3A_482 = arith.constant 0.000000e+00 : f32
        %max3A_483 = vector.broadcast %max3A_482 : f32 to vector<16xf32>
        %max3A_484 = arith.maximumf %sub3A_481, %max3A_483 : vector<16xf32>
        %mul3A_485 = arith.mulf %max3A_484, %max3A_484 : vector<16xf32>
        %add3A_486 = arith.addf %scan3A_399, %mul3A_485 : vector<16xf32>
        %sub3A_487 = arith.subf %mul3A_448, %mul3A_456 : vector<16xf32>
        %max3A_488 = arith.constant 0.000000e+00 : f32
        %max3A_489 = vector.broadcast %max3A_488 : f32 to vector<16xf32>
        %max3A_490 = arith.maximumf %sub3A_487, %max3A_489 : vector<16xf32>
        %mul3A_491 = arith.mulf %max3A_490, %max3A_490 : vector<16xf32>
        %add3A_492 = arith.addf %scan3A_400, %mul3A_491 : vector<16xf32>
        scf.yield %add3A_462, %add3A_468, %add3A_474, %add3A_480, %add3A_486, %add3A_492 : vector<16xf32>, vector<16xf32>, vector<16xf32>, vector<16xf32>, vector<16xf32>, vector<16xf32>
      }
      %scan3A_201 = arith.constant 64 : i32
      %broadcast_in_dim3A_202 = arith.constant 0.000000e+00 : f32
      %broadcast_in_dim3A_203 = vector.broadcast %broadcast_in_dim3A_202 : f32 to vector<16xf32>
      %reduce_sum3A_204 = arith.constant true
      %reduce_sum3A_205 = vector.broadcast %reduce_sum3A_204 : i1 to vector<16xi1>
      %reduce_sum3A_206 = tpu.scan <sum>, %scan3A_200#0 masked %reduce_sum3A_205 : vector<16xf32>, vector<16xi1> -> vector<16xf32>
      %reduce_sum3A_207 = vector.extract %reduce_sum3A_206[15] : f32 from vector<16xf32>
      %mul3A_208 = arith.constant 9.765625E-4 : f32
      %mul3A_209 = arith.mulf %reduce_sum3A_207, %mul3A_208 : f32
      %eq3A_210 = arith.constant 0 : i32
      %eq3A_211 = vector.broadcast %eq3A_210 : i32 to vector<16xi32>
      %eq3A_212 = arith.cmpi eq, %iota3A, %eq3A_211 : vector<16xi32>
      %jit3A_213 = arith.constant 0.000000e+00 : f32
      %broadcast_in_dim3A_214 = vector.broadcast %mul3A_209 : f32 to vector<16xf32>
      %broadcast_in_dim3A_215 = vector.broadcast %jit3A_213 : f32 to vector<16xf32>
      %select_n3A_216 = arith.select %eq3A_212, %broadcast_in_dim3A_214, %broadcast_in_dim3A_215 : vector<16xi1>, vector<16xf32>
      %add3A_217 = arith.addf %broadcast_in_dim3A_203, %select_n3A_216 : vector<16xf32>
      %reduce_sum3A_218 = arith.constant true
      %reduce_sum3A_219 = vector.broadcast %reduce_sum3A_218 : i1 to vector<16xi1>
      %reduce_sum3A_220 = tpu.scan <sum>, %scan3A_200#1 masked %reduce_sum3A_219 : vector<16xf32>, vector<16xi1> -> vector<16xf32>
      %reduce_sum3A_221 = vector.extract %reduce_sum3A_220[15] : f32 from vector<16xf32>
      %mul3A_222 = arith.constant 9.765625E-4 : f32
      %mul3A_223 = arith.mulf %reduce_sum3A_221, %mul3A_222 : f32
      %eq3A_224 = arith.constant 1 : i32
      %eq3A_225 = vector.broadcast %eq3A_224 : i32 to vector<16xi32>
      %eq3A_226 = arith.cmpi eq, %iota3A, %eq3A_225 : vector<16xi32>
      %jit3A_227 = arith.constant 0.000000e+00 : f32
      %broadcast_in_dim3A_228 = vector.broadcast %mul3A_223 : f32 to vector<16xf32>
      %broadcast_in_dim3A_229 = vector.broadcast %jit3A_227 : f32 to vector<16xf32>
      %select_n3A_230 = arith.select %eq3A_226, %broadcast_in_dim3A_228, %broadcast_in_dim3A_229 : vector<16xi1>, vector<16xf32>
      %add3A_231 = arith.addf %add3A_217, %select_n3A_230 : vector<16xf32>
      %reduce_sum3A_232 = arith.constant true
      %reduce_sum3A_233 = vector.broadcast %reduce_sum3A_232 : i1 to vector<16xi1>
      %reduce_sum3A_234 = tpu.scan <sum>, %scan3A_200#2 masked %reduce_sum3A_233 : vector<16xf32>, vector<16xi1> -> vector<16xf32>
      %reduce_sum3A_235 = vector.extract %reduce_sum3A_234[15] : f32 from vector<16xf32>
      %mul3A_236 = arith.constant 9.765625E-4 : f32
      %mul3A_237 = arith.mulf %reduce_sum3A_235, %mul3A_236 : f32
      %eq3A_238 = arith.constant 2 : i32
      %eq3A_239 = vector.broadcast %eq3A_238 : i32 to vector<16xi32>
      %eq3A_240 = arith.cmpi eq, %iota3A, %eq3A_239 : vector<16xi32>
      %jit3A_241 = arith.constant 0.000000e+00 : f32
      %broadcast_in_dim3A_242 = vector.broadcast %mul3A_237 : f32 to vector<16xf32>
      %broadcast_in_dim3A_243 = vector.broadcast %jit3A_241 : f32 to vector<16xf32>
      %select_n3A_244 = arith.select %eq3A_240, %broadcast_in_dim3A_242, %broadcast_in_dim3A_243 : vector<16xi1>, vector<16xf32>
      %add3A_245 = arith.addf %add3A_231, %select_n3A_244 : vector<16xf32>
      %reduce_sum3A_246 = arith.constant true
      %reduce_sum3A_247 = vector.broadcast %reduce_sum3A_246 : i1 to vector<16xi1>
      %reduce_sum3A_248 = tpu.scan <sum>, %scan3A_200#3 masked %reduce_sum3A_247 : vector<16xf32>, vector<16xi1> -> vector<16xf32>
      %reduce_sum3A_249 = vector.extract %reduce_sum3A_248[15] : f32 from vector<16xf32>
      %mul3A_250 = arith.constant 9.765625E-4 : f32
      %mul3A_251 = arith.mulf %reduce_sum3A_249, %mul3A_250 : f32
      %eq3A_252 = arith.constant 3 : i32
      %eq3A_253 = vector.broadcast %eq3A_252 : i32 to vector<16xi32>
      %eq3A_254 = arith.cmpi eq, %iota3A, %eq3A_253 : vector<16xi32>
      %jit3A_255 = arith.constant 0.000000e+00 : f32
      %broadcast_in_dim3A_256 = vector.broadcast %mul3A_251 : f32 to vector<16xf32>
      %broadcast_in_dim3A_257 = vector.broadcast %jit3A_255 : f32 to vector<16xf32>
      %select_n3A_258 = arith.select %eq3A_254, %broadcast_in_dim3A_256, %broadcast_in_dim3A_257 : vector<16xi1>, vector<16xf32>
      %add3A_259 = arith.addf %add3A_245, %select_n3A_258 : vector<16xf32>
      %reduce_sum3A_260 = arith.constant true
      %reduce_sum3A_261 = vector.broadcast %reduce_sum3A_260 : i1 to vector<16xi1>
      %reduce_sum3A_262 = tpu.scan <sum>, %scan3A_200#4 masked %reduce_sum3A_261 : vector<16xf32>, vector<16xi1> -> vector<16xf32>
      %reduce_sum3A_263 = vector.extract %reduce_sum3A_262[15] : f32 from vector<16xf32>
      %mul3A_264 = arith.constant 9.765625E-4 : f32
      %mul3A_265 = arith.mulf %reduce_sum3A_263, %mul3A_264 : f32
      %eq3A_266 = arith.constant 4 : i32
      %eq3A_267 = vector.broadcast %eq3A_266 : i32 to vector<16xi32>
      %eq3A_268 = arith.cmpi eq, %iota3A, %eq3A_267 : vector<16xi32>
      %jit3A_269 = arith.constant 0.000000e+00 : f32
      %broadcast_in_dim3A_270 = vector.broadcast %mul3A_265 : f32 to vector<16xf32>
      %broadcast_in_dim3A_271 = vector.broadcast %jit3A_269 : f32 to vector<16xf32>
      %select_n3A_272 = arith.select %eq3A_268, %broadcast_in_dim3A_270, %broadcast_in_dim3A_271 : vector<16xi1>, vector<16xf32>
      %add3A_273 = arith.addf %add3A_259, %select_n3A_272 : vector<16xf32>
      %reduce_sum3A_274 = arith.constant true
      %reduce_sum3A_275 = vector.broadcast %reduce_sum3A_274 : i1 to vector<16xi1>
      %reduce_sum3A_276 = tpu.scan <sum>, %scan3A_200#5 masked %reduce_sum3A_275 : vector<16xf32>, vector<16xi1> -> vector<16xf32>
      %reduce_sum3A_277 = vector.extract %reduce_sum3A_276[15] : f32 from vector<16xf32>
      %mul3A_278 = arith.constant 9.765625E-4 : f32
      %mul3A_279 = arith.mulf %reduce_sum3A_277, %mul3A_278 : f32
      %eq3A_280 = arith.constant 5 : i32
      %eq3A_281 = vector.broadcast %eq3A_280 : i32 to vector<16xi32>
      %eq3A_282 = arith.cmpi eq, %iota3A, %eq3A_281 : vector<16xi32>
      %jit3A_283 = arith.constant 0.000000e+00 : f32
      %broadcast_in_dim3A_284 = vector.broadcast %mul3A_279 : f32 to vector<16xf32>
      %broadcast_in_dim3A_285 = vector.broadcast %jit3A_283 : f32 to vector<16xf32>
      %select_n3A_286 = arith.select %eq3A_282, %broadcast_in_dim3A_284, %broadcast_in_dim3A_285 : vector<16xi1>, vector<16xf32>
      %add3A_287 = arith.addf %add3A_273, %select_n3A_286 : vector<16xf32>
      %convert_element_type3A_288 = arith.extui %and3A_81 : vector<16xi1> to vector<16xi32>
      %convert_element_type3A_289 = arith.sitofp %convert_element_type3A_288 : vector<16xi32> to vector<16xf32>
      %convert_element_type3A_290 = arith.extui %and3A_83 : vector<16xi1> to vector<16xi32>
      %convert_element_type3A_291 = arith.sitofp %convert_element_type3A_290 : vector<16xi32> to vector<16xf32>
      %mul3A_292 = arith.mulf %add3A_287, %convert_element_type3A_289 : vector<16xf32>
      %reduce_sum3A_293 = arith.constant true
      %reduce_sum3A_294 = vector.broadcast %reduce_sum3A_293 : i1 to vector<16xi1>
      %reduce_sum3A_295 = tpu.scan <sum>, %mul3A_292 masked %reduce_sum3A_294 : vector<16xf32>, vector<16xi1> -> vector<16xf32>
      %reduce_sum3A_296 = vector.extract %reduce_sum3A_295[15] : f32 from vector<16xf32>
      %sub3A_297 = arith.constant 1.000000e+00 : f32
      %sub3A_298 = vector.broadcast %sub3A_297 : f32 to vector<16xf32>
      %sub3A_299 = arith.subf %sub3A_298, %add3A_287 : vector<16xf32>
      %max3A_300 = arith.constant 0.000000e+00 : f32
      %max3A_301 = vector.broadcast %max3A_300 : f32 to vector<16xf32>
      %max3A_302 = arith.maximumf %sub3A_299, %max3A_301 : vector<16xf32>
      %mul3A_303 = arith.mulf %max3A_302, %convert_element_type3A_291 : vector<16xf32>
      %reduce_sum3A_304 = arith.constant true
      %reduce_sum3A_305 = vector.broadcast %reduce_sum3A_304 : i1 to vector<16xi1>
      %reduce_sum3A_306 = tpu.scan <sum>, %mul3A_303 masked %reduce_sum3A_305 : vector<16xf32>, vector<16xi1> -> vector<16xf32>
      %reduce_sum3A_307 = vector.extract %reduce_sum3A_306[15] : f32 from vector<16xf32>
      %convert_element_type3A_308 = arith.sitofp %reduce_sum3A_72 : i32 to f32
      %sub3A_309 = arith.constant 1.000000e+00 : f32
      %sub3A_310 = arith.subf %convert_element_type3A_308, %sub3A_309 : f32
      %max3A_311 = arith.constant 1.000000e+00 : f32
      %max3A_312 = arith.maximumf %sub3A_310, %max3A_311 : f32
      %convert_element_type3A_313 = arith.sitofp %reduce_sum3A_92 : i32 to f32
      %max3A_314 = arith.constant 1.000000e+00 : f32
      %max3A_315 = arith.maximumf %convert_element_type3A_313, %max3A_314 : f32
      %eq3A_316 = arith.constant 0 : i32
      %eq3A_317 = vector.broadcast %eq3A_316 : i32 to vector<16xi32>
      %eq3A_318 = arith.cmpi eq, %iota3A, %eq3A_317 : vector<16xi32>
      %jit3A_319 = arith.constant 0.000000e+00 : f32
      %broadcast_in_dim3A_320 = vector.broadcast %reduce_sum3A_296 : f32 to vector<16xf32>
      %broadcast_in_dim3A_321 = vector.broadcast %jit3A_319 : f32 to vector<16xf32>
      %select_n3A_322 = arith.select %eq3A_318, %broadcast_in_dim3A_320, %broadcast_in_dim3A_321 : vector<16xi1>, vector<16xf32>
      %eq3A_323 = arith.constant 1 : i32
      %eq3A_324 = vector.broadcast %eq3A_323 : i32 to vector<16xi32>
      %eq3A_325 = arith.cmpi eq, %iota3A, %eq3A_324 : vector<16xi32>
      %jit3A_326 = arith.constant 0.000000e+00 : f32
      %broadcast_in_dim3A_327 = vector.broadcast %reduce_sum3A_307 : f32 to vector<16xf32>
      %broadcast_in_dim3A_328 = vector.broadcast %jit3A_326 : f32 to vector<16xf32>
      %select_n3A_329 = arith.select %eq3A_325, %broadcast_in_dim3A_327, %broadcast_in_dim3A_328 : vector<16xi1>, vector<16xf32>
      %add3A_330 = arith.addf %select_n3A_322, %select_n3A_329 : vector<16xf32>
      %eq3A_331 = arith.constant 0 : i32
      %eq3A_332 = vector.broadcast %eq3A_331 : i32 to vector<16xi32>
      %eq3A_333 = arith.cmpi eq, %iota3A, %eq3A_332 : vector<16xi32>
      %eq3A_334 = arith.constant 1 : i32
      %eq3A_335 = vector.broadcast %eq3A_334 : i32 to vector<16xi32>
      %eq3A_336 = arith.cmpi eq, %iota3A, %eq3A_335 : vector<16xi32>
      %jit3A_337 = arith.constant 1.000000e+00 : f32
      %broadcast_in_dim3A_338 = vector.broadcast %max3A_315 : f32 to vector<16xf32>
      %broadcast_in_dim3A_339 = vector.broadcast %jit3A_337 : f32 to vector<16xf32>
      %select_n3A_340 = arith.select %eq3A_336, %broadcast_in_dim3A_338, %broadcast_in_dim3A_339 : vector<16xi1>, vector<16xf32>
      %broadcast_in_dim3A_341 = vector.broadcast %max3A_312 : f32 to vector<16xf32>
      %select_n3A_342 = arith.select %eq3A_333, %broadcast_in_dim3A_341, %select_n3A_340 : vector<16xi1>, vector<16xf32>
      %div3A_343 = arith.divf %add3A_330, %select_n3A_342 : vector<16xf32>
      %eq3A_344 = vector.broadcast %arg1 : i32 to vector<16xi32>
      %eq3A_345 = arith.cmpi eq, %iota3A, %eq3A_344 : vector<16xi32>
      %get3A = arith.constant 0 : index
      %get3A_346 = tpu.vector_load %arg15[%get3A] {strides = array<i32>} : memref<16xi32, #tpu.memory_space<vmem>>, vector<16xi32>,
      %jit3A_347 = arith.constant 0 : i32
      %broadcast_in_dim3A_348 = vector.broadcast %jit3A_347 : i32 to vector<16xi32>
      %select_n3A_349 = arith.select %eq3A_345, %get3A_346, %broadcast_in_dim3A_348 : vector<16xi1>, vector<16xi32>
      %reduce_sum3A_350 = arith.constant true
      %reduce_sum3A_351 = vector.broadcast %reduce_sum3A_350 : i1 to vector<16xi1>
      %reduce_sum3A_352 = tpu.scan <sum>, %select_n3A_349 masked %reduce_sum3A_351 : vector<16xi32>, vector<16xi1> -> vector<16xi32>
      %reduce_sum3A_353 = vector.extract %reduce_sum3A_352[15] : i32 from vector<16xi32>
      %eq3A_354 = arith.constant 1 : i32
      %eq3A_355 = arith.cmpi eq, %reduce_sum3A_353, %eq3A_354 : i32
      %ge3A = arith.constant 2 : i32
      %ge3A_356 = arith.cmpi sge, %reduce_sum3A_72, %ge3A : i32
      %and3A_357 = arith.andi %eq3A_355, %ge3A_356 : i1
      %convert_element_type3A_358 = arith.extui %and3A_357 : i1 to i32
      %convert_element_type3A_359 = arith.sitofp %convert_element_type3A_358 : i32 to f32
      %eq3A_360 = arith.constant 0 : i32
      %eq3A_361 = arith.cmpi eq, %reduce_sum3A_353, %eq3A_360 : i32
      %gt3A_362 = arith.constant 0 : i32
      %gt3A_363 = arith.cmpi sgt, %reduce_sum3A_92, %gt3A_362 : i32
      %and3A_364 = arith.andi %eq3A_361, %gt3A_363 : i1
      %convert_element_type3A_365 = arith.extui %and3A_364 : i1 to i32
      %convert_element_type3A_366 = arith.sitofp %convert_element_type3A_365 : i32 to f32
      %eq3A_367 = arith.constant 0 : i32
      %eq3A_368 = vector.broadcast %eq3A_367 : i32 to vector<16xi32>
      %eq3A_369 = arith.cmpi eq, %iota3A, %eq3A_368 : vector<16xi32>
      %jit3A_370 = arith.constant 0.000000e+00 : f32
      %broadcast_in_dim3A_371 = vector.broadcast %convert_element_type3A_359 : f32 to vector<16xf32>
      %broadcast_in_dim3A_372 = vector.broadcast %jit3A_370 : f32 to vector<16xf32>
      %select_n3A_373 = arith.select %eq3A_369, %broadcast_in_dim3A_371, %broadcast_in_dim3A_372 : vector<16xi1>, vector<16xf32>
      %eq3A_374 = arith.constant 1 : i32
      %eq3A_375 = vector.broadcast %eq3A_374 : i32 to vector<16xi32>
      %eq3A_376 = arith.cmpi eq, %iota3A, %eq3A_375 : vector<16xi32>
      %jit3A_377 = arith.constant 0.000000e+00 : f32
      %broadcast_in_dim3A_378 = vector.broadcast %convert_element_type3A_366 : f32 to vector<16xf32>
      %broadcast_in_dim3A_379 = vector.broadcast %jit3A_377 : f32 to vector<16xf32>
      %select_n3A_380 = arith.select %eq3A_376, %broadcast_in_dim3A_378, %broadcast_in_dim3A_379 : vector<16xi1>, vector<16xf32>
      %add3A_381 = arith.addf %select_n3A_373, %select_n3A_380 : vector<16xf32>
      %mul3A_382 = arith.mulf %div3A_343, %add3A_381 : vector<16xf32>
      %eq3A_383 = arith.constant 2 : i32
      %eq3A_384 = vector.broadcast %eq3A_383 : i32 to vector<16xi32>
      %eq3A_385 = arith.cmpi eq, %iota3A, %eq3A_384 : vector<16xi32>
      %add3A_386 = arith.addf %convert_element_type3A_359, %convert_element_type3A_366 : f32
      %jit3A_387 = arith.constant 0.000000e+00 : f32
      %broadcast_in_dim3A_388 = vector.broadcast %add3A_386 : f32 to vector<16xf32>
      %broadcast_in_dim3A_389 = vector.broadcast %jit3A_387 : f32 to vector<16xf32>
      %select_n3A_390 = arith.select %eq3A_385, %broadcast_in_dim3A_388, %broadcast_in_dim3A_389 : vector<16xi1>, vector<16xf32>
      %add3A_391 = arith.addf %mul3A_382, %select_n3A_390 : vector<16xf32>
      %swap3A_392 = arith.constant 0 : index
      %swap3A_393 = tpu.vector_load %arg13[%swap3A_392] {strides = array<i32>} : memref<16xf32, #tpu.memory_space<vmem>>, vector<16xf32>,
      tpu.vector_store %arg13[%swap3A_392], %add3A_391 {strides = array<i32>} : memref<16xf32, #tpu.memory_space<vmem>>, vector<16xf32>,
      "tpu.region"() ({
        %run_scoped3A = tpu.sem_alloc : memref<!tpu.dma_semaphore, #tpu.memory_space<semaphore_mem>>
        %dma_start3A_394 = arith.constant 0 : i32
        %dma_start3A_395 = tpu.memref_slice %arg17[%arg1, %dma_start3A_394] : memref<16x16xf32, #tpu.memory_space<vmem_shared>> -> memref<1x16xf32, #tpu.memory_space<vmem_shared>>
        %dma_start3A_396 = tpu.memref_squeeze %dma_start3A_395 : memref<1x16xf32, #tpu.memory_space<vmem_shared>> -> memref<16xf32, #tpu.memory_space<vmem_shared>>
        %dma_start3A_397 = arith.constant 0 : i32
        %dma_start3A_398 = tpu.memref_slice %arg17[%arg1, %dma_start3A_397] : memref<16x16xf32, #tpu.memory_space<vmem_shared>> -> memref<1x16xf32, #tpu.memory_space<vmem_shared>>
        %dma_start3A_399 = tpu.memref_squeeze %dma_start3A_398 : memref<1x16xf32, #tpu.memory_space<vmem_shared>> -> memref<16xf32, #tpu.memory_space<vmem_shared>>
        tpu.enqueue_dma source(%arg13 : memref<16xf32, #tpu.memory_space<vmem>>) target(%dma_start3A_399 : memref<16xf32, #tpu.memory_space<vmem_shared>>) target_semaphore(%run_scoped3A : memref<!tpu.dma_semaphore, #tpu.memory_space<semaphore_mem>>)
        %dma_wait3A_400 = arith.constant 0 : i32
        %dma_wait3A_401 = tpu.memref_slice %arg17[%arg1, %dma_wait3A_400] : memref<16x16xf32, #tpu.memory_space<vmem_shared>> -> memref<1x16xf32, #tpu.memory_space<vmem_shared>>
        %dma_wait3A_402 = tpu.memref_squeeze %dma_wait3A_401 : memref<1x16xf32, #tpu.memory_space<vmem_shared>> -> memref<16xf32, #tpu.memory_space<vmem_shared>>
        %dma_wait3A_403 = arith.constant 0 : i32
        %dma_wait3A_404 = tpu.memref_slice %arg17[%arg1, %dma_wait3A_403] : memref<16x16xf32, #tpu.memory_space<vmem_shared>> -> memref<1x16xf32, #tpu.memory_space<vmem_shared>>
        %dma_wait3A_405 = tpu.memref_squeeze %dma_wait3A_404 : memref<1x16xf32, #tpu.memory_space<vmem_shared>> -> memref<16xf32, #tpu.memory_space<vmem_shared>>
        tpu.wait_dma2 semaphore(%run_scoped3A : memref<!tpu.dma_semaphore, #tpu.memory_space<semaphore_mem>>) src(%arg13 : memref<16xf32, #tpu.memory_space<vmem>>) dst(%dma_wait3A_405 : memref<16xf32, #tpu.memory_space<vmem_shared>>)
        tpu.yield
      }) : () -> ()
    } else {
    }
    %barrier3A = arith.constant 0 : index
    tpu.barrier barrier_id(%barrier3A)
    %eq3A_3 = arith.constant 0 : i32
    %eq3A_4 = arith.cmpi eq, %arg0, %eq3A_3 : i32
    %eq3A_5 = arith.constant 0 : i32
    %eq3A_6 = arith.cmpi eq, %arg1, %eq3A_5 : i32
    %and3A = arith.andi %eq3A_4, %eq3A_6 : i1
    %convert_element_type3A_7 = arith.extui %and3A : i1 to i32
    %cond3A_8 = arith.constant 0 : i32
    %cond3A_9 = arith.cmpi ne, %convert_element_type3A_7, %cond3A_8 : i32
    scf.if %cond3A_9 {
      "tpu.region"() ({
        %run_scoped3A = tpu.sem_alloc : memref<!tpu.dma_semaphore, #tpu.memory_space<semaphore_mem>>
        tpu.enqueue_dma source(%arg17 : memref<16x16xf32, #tpu.memory_space<vmem_shared>>) target(%arg14 : memref<16x16xf32, #tpu.memory_space<vmem>>) target_semaphore(%run_scoped3A : memref<!tpu.dma_semaphore, #tpu.memory_space<semaphore_mem>>)
        tpu.wait_dma2 semaphore(%run_scoped3A : memref<!tpu.dma_semaphore, #tpu.memory_space<semaphore_mem>>) src(%arg17 : memref<16x16xf32, #tpu.memory_space<vmem_shared>>) dst(%arg14 : memref<16x16xf32, #tpu.memory_space<vmem>>)
        tpu.yield
      }) : () -> ()
      %broadcast_in_dim3A = arith.constant 0.000000e+00 : f32
      %broadcast_in_dim3A_10 = vector.broadcast %broadcast_in_dim3A : f32 to vector<16xf32>
      %get3A = arith.constant 0 : i32
      %get3A_11 = arith.index_cast %get3A : i32 to index
      %get3A_12 = arith.constant 0 : index
      %get3A_13 = tpu.vector_load %arg14[%get3A_11, %get3A_12] {strides = array<i32>} : memref<16x16xf32, #tpu.memory_space<vmem>>, vector<16xf32>,
      %add3A = arith.addf %broadcast_in_dim3A_10, %get3A_13 : vector<16xf32>
      %get3A_14 = arith.constant 1 : i32
      %get3A_15 = arith.index_cast %get3A_14 : i32 to index
      %get3A_16 = arith.constant 0 : index
      %get3A_17 = tpu.vector_load %arg14[%get3A_15, %get3A_16] {strides = array<i32>} : memref<16x16xf32, #tpu.memory_space<vmem>>, vector<16xf32>,
      %add3A_18 = arith.addf %add3A, %get3A_17 : vector<16xf32>
      %get3A_19 = arith.constant 2 : i32
      %get3A_20 = arith.index_cast %get3A_19 : i32 to index
      %get3A_21 = arith.constant 0 : index
      %get3A_22 = tpu.vector_load %arg14[%get3A_20, %get3A_21] {strides = array<i32>} : memref<16x16xf32, #tpu.memory_space<vmem>>, vector<16xf32>,
      %add3A_23 = arith.addf %add3A_18, %get3A_22 : vector<16xf32>
      %get3A_24 = arith.constant 3 : i32
      %get3A_25 = arith.index_cast %get3A_24 : i32 to index
      %get3A_26 = arith.constant 0 : index
      %get3A_27 = tpu.vector_load %arg14[%get3A_25, %get3A_26] {strides = array<i32>} : memref<16x16xf32, #tpu.memory_space<vmem>>, vector<16xf32>,
      %add3A_28 = arith.addf %add3A_23, %get3A_27 : vector<16xf32>
      %get3A_29 = arith.constant 4 : i32
      %get3A_30 = arith.index_cast %get3A_29 : i32 to index
      %get3A_31 = arith.constant 0 : index
      %get3A_32 = tpu.vector_load %arg14[%get3A_30, %get3A_31] {strides = array<i32>} : memref<16x16xf32, #tpu.memory_space<vmem>>, vector<16xf32>,
      %add3A_33 = arith.addf %add3A_28, %get3A_32 : vector<16xf32>
      %get3A_34 = arith.constant 5 : i32
      %get3A_35 = arith.index_cast %get3A_34 : i32 to index
      %get3A_36 = arith.constant 0 : index
      %get3A_37 = tpu.vector_load %arg14[%get3A_35, %get3A_36] {strides = array<i32>} : memref<16x16xf32, #tpu.memory_space<vmem>>, vector<16xf32>,
      %add3A_38 = arith.addf %add3A_33, %get3A_37 : vector<16xf32>
      %get3A_39 = arith.constant 6 : i32
      %get3A_40 = arith.index_cast %get3A_39 : i32 to index
      %get3A_41 = arith.constant 0 : index
      %get3A_42 = tpu.vector_load %arg14[%get3A_40, %get3A_41] {strides = array<i32>} : memref<16x16xf32, #tpu.memory_space<vmem>>, vector<16xf32>,
      %add3A_43 = arith.addf %add3A_38, %get3A_42 : vector<16xf32>
      %get3A_44 = arith.constant 7 : i32
      %get3A_45 = arith.index_cast %get3A_44 : i32 to index
      %get3A_46 = arith.constant 0 : index
      %get3A_47 = tpu.vector_load %arg14[%get3A_45, %get3A_46] {strides = array<i32>} : memref<16x16xf32, #tpu.memory_space<vmem>>, vector<16xf32>,
      %add3A_48 = arith.addf %add3A_43, %get3A_47 : vector<16xf32>
      %get3A_49 = arith.constant 8 : i32
      %get3A_50 = arith.index_cast %get3A_49 : i32 to index
      %get3A_51 = arith.constant 0 : index
      %get3A_52 = tpu.vector_load %arg14[%get3A_50, %get3A_51] {strides = array<i32>} : memref<16x16xf32, #tpu.memory_space<vmem>>, vector<16xf32>,
      %add3A_53 = arith.addf %add3A_48, %get3A_52 : vector<16xf32>
      %get3A_54 = arith.constant 9 : i32
      %get3A_55 = arith.index_cast %get3A_54 : i32 to index
      %get3A_56 = arith.constant 0 : index
      %get3A_57 = tpu.vector_load %arg14[%get3A_55, %get3A_56] {strides = array<i32>} : memref<16x16xf32, #tpu.memory_space<vmem>>, vector<16xf32>,
      %add3A_58 = arith.addf %add3A_53, %get3A_57 : vector<16xf32>
      %get3A_59 = arith.constant 10 : i32
      %get3A_60 = arith.index_cast %get3A_59 : i32 to index
      %get3A_61 = arith.constant 0 : index
      %get3A_62 = tpu.vector_load %arg14[%get3A_60, %get3A_61] {strides = array<i32>} : memref<16x16xf32, #tpu.memory_space<vmem>>, vector<16xf32>,
      %add3A_63 = arith.addf %add3A_58, %get3A_62 : vector<16xf32>
      %get3A_64 = arith.constant 11 : i32
      %get3A_65 = arith.index_cast %get3A_64 : i32 to index
      %get3A_66 = arith.constant 0 : index
      %get3A_67 = tpu.vector_load %arg14[%get3A_65, %get3A_66] {strides = array<i32>} : memref<16x16xf32, #tpu.memory_space<vmem>>, vector<16xf32>,
      %add3A_68 = arith.addf %add3A_63, %get3A_67 : vector<16xf32>
      %get3A_69 = arith.constant 12 : i32
      %get3A_70 = arith.index_cast %get3A_69 : i32 to index
      %get3A_71 = arith.constant 0 : index
      %get3A_72 = tpu.vector_load %arg14[%get3A_70, %get3A_71] {strides = array<i32>} : memref<16x16xf32, #tpu.memory_space<vmem>>, vector<16xf32>,
      %add3A_73 = arith.addf %add3A_68, %get3A_72 : vector<16xf32>
      %get3A_74 = arith.constant 13 : i32
      %get3A_75 = arith.index_cast %get3A_74 : i32 to index
      %get3A_76 = arith.constant 0 : index
      %get3A_77 = tpu.vector_load %arg14[%get3A_75, %get3A_76] {strides = array<i32>} : memref<16x16xf32, #tpu.memory_space<vmem>>, vector<16xf32>,
      %add3A_78 = arith.addf %add3A_73, %get3A_77 : vector<16xf32>
      %get3A_79 = arith.constant 14 : i32
      %get3A_80 = arith.index_cast %get3A_79 : i32 to index
      %get3A_81 = arith.constant 0 : index
      %get3A_82 = tpu.vector_load %arg14[%get3A_80, %get3A_81] {strides = array<i32>} : memref<16x16xf32, #tpu.memory_space<vmem>>, vector<16xf32>,
      %add3A_83 = arith.addf %add3A_78, %get3A_82 : vector<16xf32>
      %get3A_84 = arith.constant 15 : i32
      %get3A_85 = arith.index_cast %get3A_84 : i32 to index
      %get3A_86 = arith.constant 0 : index
      %get3A_87 = tpu.vector_load %arg14[%get3A_85, %get3A_86] {strides = array<i32>} : memref<16x16xf32, #tpu.memory_space<vmem>>, vector<16xf32>,
      %add3A_88 = arith.addf %add3A_83, %get3A_87 : vector<16xf32>
      %le3A = arith.constant 1 : i32
      %le3A_89 = vector.broadcast %le3A : i32 to vector<16xi32>
      %le3A_90 = arith.cmpi sle, %iota3A, %le3A_89 : vector<16xi32>
      %jit3A = arith.constant 0.000000e+00 : f32
      %broadcast_in_dim3A_91 = vector.broadcast %jit3A : f32 to vector<16xf32>
      %select_n3A = arith.select %le3A_90, %add3A_88, %broadcast_in_dim3A_91 : vector<16xi1>, vector<16xf32>
      %reduce_sum3A = arith.constant true
      %reduce_sum3A_92 = vector.broadcast %reduce_sum3A : i1 to vector<16xi1>
      %reduce_sum3A_93 = tpu.scan <sum>, %select_n3A masked %reduce_sum3A_92 : vector<16xf32>, vector<16xi1> -> vector<16xf32>
      %reduce_sum3A_94 = vector.extract %reduce_sum3A_93[15] : f32 from vector<16xf32>
      %eq3A_95 = arith.constant 2 : i32
      %eq3A_96 = vector.broadcast %eq3A_95 : i32 to vector<16xi32>
      %eq3A_97 = arith.cmpi eq, %iota3A, %eq3A_96 : vector<16xi32>
      %jit3A_98 = arith.constant 0.000000e+00 : f32
      %broadcast_in_dim3A_99 = vector.broadcast %jit3A_98 : f32 to vector<16xf32>
      %select_n3A_100 = arith.select %eq3A_97, %add3A_88, %broadcast_in_dim3A_99 : vector<16xi1>, vector<16xf32>
      %reduce_sum3A_101 = arith.constant true
      %reduce_sum3A_102 = vector.broadcast %reduce_sum3A_101 : i1 to vector<16xi1>
      %reduce_sum3A_103 = tpu.scan <sum>, %select_n3A_100 masked %reduce_sum3A_102 : vector<16xf32>, vector<16xi1> -> vector<16xf32>
      %reduce_sum3A_104 = vector.extract %reduce_sum3A_103[15] : f32 from vector<16xf32>
      %eq3A_105 = arith.constant 0 : i32
      %eq3A_106 = vector.broadcast %eq3A_105 : i32 to vector<16xi32>
      %eq3A_107 = arith.cmpi eq, %iota3A, %eq3A_106 : vector<16xi32>
      %jit3A_108 = arith.constant 0.000000e+00 : f32
      %broadcast_in_dim3A_109 = vector.broadcast %reduce_sum3A_94 : f32 to vector<16xf32>
      %broadcast_in_dim3A_110 = vector.broadcast %jit3A_108 : f32 to vector<16xf32>
      %select_n3A_111 = arith.select %eq3A_107, %broadcast_in_dim3A_109, %broadcast_in_dim3A_110 : vector<16xi1>, vector<16xf32>
      %eq3A_112 = arith.constant 0 : i32
      %eq3A_113 = vector.broadcast %eq3A_112 : i32 to vector<16xi32>
      %eq3A_114 = arith.cmpi eq, %iota3A, %eq3A_113 : vector<16xi32>
      %add3A_115 = arith.constant 9.99999971E-10 : f32
      %add3A_116 = arith.addf %reduce_sum3A_104, %add3A_115 : f32
      %jit3A_117 = arith.constant 1.000000e+00 : f32
      %broadcast_in_dim3A_118 = vector.broadcast %add3A_116 : f32 to vector<16xf32>
      %broadcast_in_dim3A_119 = vector.broadcast %jit3A_117 : f32 to vector<16xf32>
      %select_n3A_120 = arith.select %eq3A_114, %broadcast_in_dim3A_118, %broadcast_in_dim3A_119 : vector<16xi1>, vector<16xf32>
      %div3A = arith.divf %select_n3A_111, %select_n3A_120 : vector<16xf32>
      %swap3A = arith.constant 0 : index
      %swap3A_121 = tpu.vector_load %arg16[%swap3A] {strides = array<i32>} : memref<16xf32, #tpu.memory_space<vmem>>, vector<16xf32>,
      tpu.vector_store %arg16[%swap3A], %div3A {strides = array<i32>} : memref<16xf32, #tpu.memory_space<vmem>>, vector<16xf32>,
      "tpu.region"() ({
        %run_scoped3A = tpu.sem_alloc : memref<!tpu.dma_semaphore, #tpu.memory_space<semaphore_mem>>
        tpu.enqueue_dma source(%arg16 : memref<16xf32, #tpu.memory_space<vmem>>) target(%arg6 : memref<16xf32, #tpu.memory_space<hbm>>) target_semaphore(%run_scoped3A : memref<!tpu.dma_semaphore, #tpu.memory_space<semaphore_mem>>)
        tpu.wait_dma2 semaphore(%run_scoped3A : memref<!tpu.dma_semaphore, #tpu.memory_space<semaphore_mem>>) src(%arg16 : memref<16xf32, #tpu.memory_space<vmem>>) dst(%arg6 : memref<16xf32, #tpu.memory_space<hbm>>)
        tpu.yield
      }) : () -> ()
    } else {
    }
    return
  }
}

module attributes {stable_mosaic.version = 14 : i64} {
  func.func @_sums_body(%arg0: i32, %arg1: i32, %arg2: memref<1x1x1024xi32, #tpu.memory_space<vmem>>, %arg3: memref<1x1024x1024xf32, #tpu.memory_space<vmem>>, %arg4: memref<1x8x1024xf32, #tpu.memory_space<vmem>>, %arg5: memref<1x8x128xf32, #tpu.memory_space<vmem>>, %arg6: memref<1x8x128xi32, #tpu.memory_space<vmem>>) attributes {dimension_semantics = [#tpu.dimension_semantics<arbitrary>, #tpu.dimension_semantics<arbitrary>], iteration_bounds = array<i64: 16, 2>, scalar_prefetch = 0 : i64, scratch_operands = 0 : i64, tpu.core_type = #tpu.core_type<tc>, window_params = [{transform_indices = @transform_0, window_bounds = array<i64: 1, 1, 1024>}, {transform_indices = @transform_1, window_bounds = array<i64: 1, 1024, 1024>}, {transform_indices = @transform_2, window_bounds = array<i64: 1, 8, 1024>}, {transform_indices = @transform_3, window_bounds = array<i64: 1, 8, 128>}, {transform_indices = @transform_4, window_bounds = array<i64: 1, 8, 128>}]} {
    %get3A = arith.constant 0 : index
    %get3A_0 = arith.constant 0 : index
    %get3A_1 = arith.constant 0 : index
    %get3A_2 = vector.load %arg3[%get3A, %get3A_0, %get3A_1] : memref<1x1024x1024xf32, #tpu.memory_space<vmem>>, vector<1x1024x1024xf32>
    %get3A_3 = vector.shape_cast %get3A_2 : vector<1x1024x1024xf32> to vector<1024x1024xf32>
    %abs3A = math.absf %get3A_3 : vector<1024x1024xf32>
    %get3A_4 = arith.constant 0 : index
    %get3A_5 = arith.constant 0 : index
    %get3A_6 = arith.constant 0 : index
    %get3A_7 = vector.load %arg2[%get3A_4, %get3A_5, %get3A_6] : memref<1x1x1024xi32, #tpu.memory_space<vmem>>, vector<1x1x1024xi32>
    %get3A_8 = vector.shape_cast %get3A_7 : vector<1x1x1024xi32> to vector<1x1024xi32>
    %iota3A = tpu.iota {dimensions = array<i32: 0>} : vector<8x1024xi32>
    %eq3A = vector.broadcast %get3A_8 : vector<1x1024xi32> to vector<8x1024xi32>
    %eq3A_9 = arith.cmpi eq, %iota3A, %eq3A : vector<8x1024xi32>
    %convert_element_type3A = arith.extui %eq3A_9 : vector<8x1024xi1> to vector<8x1024xi32>
    %convert_element_type3A_10 = arith.sitofp %convert_element_type3A : vector<8x1024xi32> to vector<8x1024xf32>
    %dot_general3A = arith.constant dense<0.000000e+00> : vector<8x1024xf32>
    %dot_general3A_11 = tpu.matmul %convert_element_type3A_10, %abs3A, %dot_general3A {dimension_numbers = #tpu.dot_dimension_numbers<[1], [0], [0], [1], [0, 0, 1, 1], [], []>, transpose_lhs_hint = false} : vector<8x1024xf32>, vector<1024x1024xf32>, vector<8x1024xf32> -> vector<8x1024xf32>
    %reduce_sum3A = arith.constant dense<0.000000e+00> : vector<8xf32>
    %reduce_sum3A_12 = vector.multi_reduction <add>, %convert_element_type3A_10, %reduce_sum3A [1] : vector<8x1024xf32> to vector<8xf32>
    %broadcast_in_dim3A = vector.shape_cast %reduce_sum3A_12 : vector<8xf32> to vector<8x1xf32>
    %broadcast_in_dim3A_13 = vector.shape_cast %broadcast_in_dim3A : vector<8x1xf32> to vector<8x1xf32>
    %broadcast_in_dim3A_14 = vector.broadcast %broadcast_in_dim3A_13 : vector<8x1xf32> to vector<8x128xf32>
    %mul3A = arith.constant 1024 : i32
    %mul3A_15 = arith.muli %arg1, %mul3A : i32
    %iota3A_16 = tpu.iota {dimensions = array<i32: 1>} : vector<8x1024xi32>
    %add3A = vector.broadcast %mul3A_15 : i32 to vector<8x1024xi32>
    %add3A_17 = arith.addi %add3A, %iota3A_16 : vector<8x1024xi32>
    %jit3A = arith.constant 2048 : i32
    %broadcast_in_dim3A_18 = vector.broadcast %jit3A : i32 to vector<8x1024xi32>
    %select_n3A = arith.select %eq3A_9, %add3A_17, %broadcast_in_dim3A_18 : vector<8x1024xi1>, vector<8x1024xi32>
    %reduce_min3A = arith.constant dense<2147483647> : vector<8xi32>
    %reduce_min3A_19 = vector.multi_reduction <minsi>, %select_n3A, %reduce_min3A [1] : vector<8x1024xi32> to vector<8xi32>
    %broadcast_in_dim3A_20 = vector.shape_cast %reduce_min3A_19 : vector<8xi32> to vector<8x1xi32>
    %broadcast_in_dim3A_21 = vector.shape_cast %broadcast_in_dim3A_20 : vector<8x1xi32> to vector<8x1xi32>
    %broadcast_in_dim3A_22 = vector.broadcast %broadcast_in_dim3A_21 : vector<8x1xi32> to vector<8x128xi32>
    %eq3A_23 = arith.constant 0 : i32
    %eq3A_24 = arith.cmpi eq, %arg1, %eq3A_23 : i32
    %convert_element_type3A_25 = arith.extui %eq3A_24 : i1 to i32
    %cond3A = arith.constant 0 : i32
    %cond3A_26 = arith.cmpi ne, %convert_element_type3A_25, %cond3A : i32
    scf.if %cond3A_26 {
      %swap3A = arith.constant 0 : index
      %swap3A_31 = arith.constant 0 : index
      %swap3A_32 = arith.constant 0 : index
      %swap3A_33 = vector.load %arg4[%swap3A, %swap3A_31, %swap3A_32] : memref<1x8x1024xf32, #tpu.memory_space<vmem>>, vector<1x8x1024xf32>
      %swap3A_34 = vector.shape_cast %swap3A_33 : vector<1x8x1024xf32> to vector<8x1024xf32>
      %swap3A_35 = vector.shape_cast %dot_general3A_11 : vector<8x1024xf32> to vector<1x8x1024xf32>
      tpu.vector_store %arg4[%swap3A, %swap3A_31, %swap3A_32], %swap3A_35 {strides = array<i32>} : memref<1x8x1024xf32, #tpu.memory_space<vmem>>, vector<1x8x1024xf32>,
      %swap3A_36 = arith.constant 0 : index
      %swap3A_37 = arith.constant 0 : index
      %swap3A_38 = arith.constant 0 : index
      %swap3A_39 = vector.load %arg5[%swap3A_36, %swap3A_37, %swap3A_38] : memref<1x8x128xf32, #tpu.memory_space<vmem>>, vector<1x8x128xf32>
      %swap3A_40 = vector.shape_cast %swap3A_39 : vector<1x8x128xf32> to vector<8x128xf32>
      %swap3A_41 = vector.shape_cast %broadcast_in_dim3A_14 : vector<8x128xf32> to vector<1x8x128xf32>
      tpu.vector_store %arg5[%swap3A_36, %swap3A_37, %swap3A_38], %swap3A_41 {strides = array<i32>} : memref<1x8x128xf32, #tpu.memory_space<vmem>>, vector<1x8x128xf32>,
      %swap3A_42 = arith.constant 0 : index
      %swap3A_43 = arith.constant 0 : index
      %swap3A_44 = arith.constant 0 : index
      %swap3A_45 = vector.load %arg6[%swap3A_42, %swap3A_43, %swap3A_44] : memref<1x8x128xi32, #tpu.memory_space<vmem>>, vector<1x8x128xi32>
      %swap3A_46 = vector.shape_cast %swap3A_45 : vector<1x8x128xi32> to vector<8x128xi32>
      %swap3A_47 = vector.shape_cast %broadcast_in_dim3A_22 : vector<8x128xi32> to vector<1x8x128xi32>
      tpu.vector_store %arg6[%swap3A_42, %swap3A_43, %swap3A_44], %swap3A_47 {strides = array<i32>} : memref<1x8x128xi32, #tpu.memory_space<vmem>>, vector<1x8x128xi32>,
    } else {
    }
    %ne3A = arith.constant 0 : i32
    %ne3A_27 = arith.cmpi ne, %arg1, %ne3A : i32
    %convert_element_type3A_28 = arith.extui %ne3A_27 : i1 to i32
    %cond3A_29 = arith.constant 0 : i32
    %cond3A_30 = arith.cmpi ne, %convert_element_type3A_28, %cond3A_29 : i32
    scf.if %cond3A_30 {
      %get3A_31 = arith.constant 0 : index
      %get3A_32 = arith.constant 0 : index
      %get3A_33 = arith.constant 0 : index
      %get3A_34 = vector.load %arg4[%get3A_31, %get3A_32, %get3A_33] : memref<1x8x1024xf32, #tpu.memory_space<vmem>>, vector<1x8x1024xf32>
      %get3A_35 = vector.shape_cast %get3A_34 : vector<1x8x1024xf32> to vector<8x1024xf32>
      %add3A_36 = arith.addf %get3A_35, %dot_general3A_11 : vector<8x1024xf32>
      %swap3A = arith.constant 0 : index
      %swap3A_37 = arith.constant 0 : index
      %swap3A_38 = arith.constant 0 : index
      %swap3A_39 = vector.load %arg4[%swap3A, %swap3A_37, %swap3A_38] : memref<1x8x1024xf32, #tpu.memory_space<vmem>>, vector<1x8x1024xf32>
      %swap3A_40 = vector.shape_cast %swap3A_39 : vector<1x8x1024xf32> to vector<8x1024xf32>
      %swap3A_41 = vector.shape_cast %add3A_36 : vector<8x1024xf32> to vector<1x8x1024xf32>
      tpu.vector_store %arg4[%swap3A, %swap3A_37, %swap3A_38], %swap3A_41 {strides = array<i32>} : memref<1x8x1024xf32, #tpu.memory_space<vmem>>, vector<1x8x1024xf32>,
      %get3A_42 = arith.constant 0 : index
      %get3A_43 = arith.constant 0 : index
      %get3A_44 = arith.constant 0 : index
      %get3A_45 = vector.load %arg5[%get3A_42, %get3A_43, %get3A_44] : memref<1x8x128xf32, #tpu.memory_space<vmem>>, vector<1x8x128xf32>
      %get3A_46 = vector.shape_cast %get3A_45 : vector<1x8x128xf32> to vector<8x128xf32>
      %add3A_47 = arith.addf %get3A_46, %broadcast_in_dim3A_14 : vector<8x128xf32>
      %swap3A_48 = arith.constant 0 : index
      %swap3A_49 = arith.constant 0 : index
      %swap3A_50 = arith.constant 0 : index
      %swap3A_51 = vector.load %arg5[%swap3A_48, %swap3A_49, %swap3A_50] : memref<1x8x128xf32, #tpu.memory_space<vmem>>, vector<1x8x128xf32>
      %swap3A_52 = vector.shape_cast %swap3A_51 : vector<1x8x128xf32> to vector<8x128xf32>
      %swap3A_53 = vector.shape_cast %add3A_47 : vector<8x128xf32> to vector<1x8x128xf32>
      tpu.vector_store %arg5[%swap3A_48, %swap3A_49, %swap3A_50], %swap3A_53 {strides = array<i32>} : memref<1x8x128xf32, #tpu.memory_space<vmem>>, vector<1x8x128xf32>,
      %get3A_54 = arith.constant 0 : index
      %get3A_55 = arith.constant 0 : index
      %get3A_56 = arith.constant 0 : index
      %get3A_57 = vector.load %arg6[%get3A_54, %get3A_55, %get3A_56] : memref<1x8x128xi32, #tpu.memory_space<vmem>>, vector<1x8x128xi32>
      %get3A_58 = vector.shape_cast %get3A_57 : vector<1x8x128xi32> to vector<8x128xi32>
      %min3A = arith.minsi %get3A_58, %broadcast_in_dim3A_22 : vector<8x128xi32>
      %swap3A_59 = arith.constant 0 : index
      %swap3A_60 = arith.constant 0 : index
      %swap3A_61 = arith.constant 0 : index
      %swap3A_62 = vector.load %arg6[%swap3A_59, %swap3A_60, %swap3A_61] : memref<1x8x128xi32, #tpu.memory_space<vmem>>, vector<1x8x128xi32>
      %swap3A_63 = vector.shape_cast %swap3A_62 : vector<1x8x128xi32> to vector<8x128xi32>
      %swap3A_64 = vector.shape_cast %min3A : vector<8x128xi32> to vector<1x8x128xi32>
      tpu.vector_store %arg6[%swap3A_59, %swap3A_60, %swap3A_61], %swap3A_64 {strides = array<i32>} : memref<1x8x128xi32, #tpu.memory_space<vmem>>, vector<1x8x128xi32>,
    } else {
    }
    return
  }
  func.func @transform_0(%arg0: i32, %arg1: i32) -> (i32, i32, i32) {
    %mul3A = arith.constant 2 : i32
    %mul3A_0 = arith.muli %arg0, %mul3A : i32
    %add3A = arith.addi %mul3A_0, %arg1 : i32
    %c0_i32 = arith.constant 0 : i32
    %c0_i32_1 = arith.constant 0 : i32
    %c0_i32_2 = arith.constant 0 : i32
    return %add3A, %c0_i32, %c0_i32_1 : i32, i32, i32
  }
  func.func @transform_1(%arg0: i32, %arg1: i32) -> (i32, i32, i32) {
    %c0_i32 = arith.constant 0 : i32
    %c0_i32_0 = arith.constant 0 : i32
    return %arg0, %arg1, %c0_i32 : i32, i32, i32
  }
  func.func @transform_2(%arg0: i32, %arg1: i32) -> (i32, i32, i32) {
    %c0_i32 = arith.constant 0 : i32
    %c0_i32_0 = arith.constant 0 : i32
    %c0_i32_1 = arith.constant 0 : i32
    return %arg0, %c0_i32, %c0_i32_0 : i32, i32, i32
  }
  func.func @transform_3(%arg0: i32, %arg1: i32) -> (i32, i32, i32) {
    %c0_i32 = arith.constant 0 : i32
    %c0_i32_0 = arith.constant 0 : i32
    %c0_i32_1 = arith.constant 0 : i32
    return %arg0, %c0_i32, %c0_i32_0 : i32, i32, i32
  }
  func.func @transform_4(%arg0: i32, %arg1: i32) -> (i32, i32, i32) {
    %c0_i32 = arith.constant 0 : i32
    %c0_i32_0 = arith.constant 0 : i32
    %c0_i32_1 = arith.constant 0 : i32
    return %arg0, %c0_i32, %c0_i32_0 : i32, i32, i32
  }
}

</mosaic_0001>

<sc_bundles>
// kernel: kernel.4.cloned.1.call-start
scs
__scs_entry_jumppad:
0x0: {  	(pc) =	sbr.rel $0x88, $3  }
0x1: {  	(tag) =	ssettag $0x0;
	lr =	simm.s32 $0x1  }
0x2: {  	[smem:$0x3F9E] =	sst lr;
	_ =	strace $0xD0000000  }
0x3: {  	_ = 	snop  }
0x4: {  	_ = 	snop  }
0x5: {  	_ = 	snop  }
0x6: {  	_ = 	snop  }
0x7: {  	_ = 	snop  }
__scs_overlays_trampoline_lowered:
0x8: {  	[smem:$0x3FAD] =	sst s0  }
0x9: {  	[smem:$0x3FAE] =	sst s1  }
0xa: {  	[smem:$0x3FAF] =	sst s2  }
0xb: {  	[smem:$0x3FB0] =	sst s3  }
0xc: {  	[smem:$0x3FB1] =	sst s4  }
0xd: {  	[smem:$0x3FB2] =	sst s5  }
0xe: {  	[smem:$0x3FB3] =	sst s6  }
0xf: {  	[smem:$0x3FB4] =	sst s7  }
0x10: {  	[smem:$0x3FB5] =	sst s8  }
0x11: {  	[smem:$0x3FB6] =	sst s9;
	s0 =	simm.s32 @!p0 $0x0  }
0x12: {  	s1 =	sld [smem:$0x3F9C];
	s0 =	simm.s32 @p0 $0x1  }
0x13: {  	[smem:$0x3FB7] =	sst s0;
	s0 =	simm.s32 @!p1 $0x0  }
0x14: {  	s2 =	sld [smem:$0x3F9B];
	s0 =	simm.s32 @p1 $0x1  }
0x15: {  	[smem:$0x3FB8] =	sst s0;
	s0 =	simm.s32 @!p2 $0x0  }
0x16: {  	s3 =	sld [smem:$0x3FDB];
	s0 =	simm.s32 @p2 $0x1  }
0x17: {  	s4 =	simm.s32 $0x1BF5;
	[smem:$0x3FBA] =	sst s0  }
0x18: {  	s0 =	sld [smem:$0x3F9D];
	_ =	swait.ge [sflag:s4], $0x0  }
0x19: {  	s7 =	sld [smem:$0x3F9E]  }
0x1a: {  	s8 =	sadd.s32 $0xFFFFE003, lr  }
0x1b: {  	s9 =	sadd.s32 $0xFFFFFEF7, lr;
	s5 =	simm.s32 $0xFFFFFFFF;
	p2 =	slt.u32 s8, $0xFFFFF086  }
0x1c: {  	p1 =	slt.u32 s9, $0xF7A;
	s5 =	simm.s32 @!p2 $0x0  }
0x1d: {  	s5 =	simm.s32 @p1 $0x1;
	p0 =	seq.s32 s7, s2  }
0x1e: {  	s7 =	smul.u32 @!p0 $0xF7A, s2;
	p2 =	seq.s32 @!p0 s5, $0x0  }
0x1f: {  	s9 =	smul.u32 $0xF7A, s1;
	s8 =	simm.s32 @!p0 $0x1BF5;
	p2 =	por !p2, p0  }
0x20: {  	[sflag:s8] =	ssyncset.s32 @!p0 $0xFFFFF086;
	s6 =	sadd.s32 @!p0 s3, s7;
	s7 =	simm.s32 @!p0 $0x108  }
0x21: {  	s3 =	sadd.s32 s3, s9;
	s6 =	sadd.s32 @!p0 $0x88, s6;
	s7 =	simm.s32 @p2 $0x1082  }
0x22: {  	[simem:s7], [sflag:s8] =	dma.local @!p0 [hbm:s6], $0xF7A  }
0x23: {  	s9 =	sor.u32 $0xD0000000, s2;
	s6 =	simm.s32 $0x108;
	_ =	swait.ge @!p0 [sflag:s8], $0x0  }
0x24: {  	s3 =	sadd.s32 $0x88, s3;
	s6 =	simm.s32 @!p1 $0x1082;
	[sflag:s4] =	ssyncset.s32 $0xFFFFF086  }
0x25: {  	[simem:s6], [sflag:s4] =	dma.local [hbm:s3], $0xF7A  }
0x26: {  	[smem:$0x3F9E] =	sst s1;
	(tag) =	ssettag s2;
	_ =	strace s9  }
0x27: {  	s1 =	sld [smem:$0x3FAE]  }
0x28: {  	s2 =	sld [smem:$0x3FAF]  }
0x29: {  	s4 =	sld [smem:$0x3FB1]  }
0x2a: {  	p0 =	seq.s32 s5, $0x0;
	s5 =	sld [smem:$0x3FB2]  }
0x2b: {  	s6 =	sld [smem:$0x3FB3]  }
0x2c: {  	s7 =	sld [smem:$0x3FB4]  }
0x2d: {  	s3 =	simm.s32 $0x108;
	s8 =	sld [smem:$0x3FB5]  }
0x2e: {  	s3 =	simm.s32 @!p0 $0x1082;
	s9 =	sld [smem:$0x3FB6]  }
0x2f: {  	lr =	sadd.s32 s0, s3;
	s0 =	sld [smem:$0x3FAD]  }
0x30: {  	s3 =	sld [smem:$0x3FB0]  }
0x31: {  	[smem:$0x3FB9] =	sst s10  }
0x32: {  	s10 =	sld [smem:$0x3FB7];
	_ =	sdelay $0x3  }
0x33: {  	p0 =	seq.s32 s10, $0x1;
	s10 =	sld [smem:$0x3FB9];
	_ =	sdelay $0x3  }
0x34: {  	[smem:$0x3FB9] =	sst s10  }
0x35: {  	s10 =	sld [smem:$0x3FB8];
	_ =	sdelay $0x3  }
0x36: {  	p1 =	seq.s32 s10, $0x1;
	s10 =	sld [smem:$0x3FB9];
	_ =	sdelay $0x3  }
0x37: {  	[smem:$0x3FB9] =	sst s10  }
0x38: {  	s10 =	sld [smem:$0x3FBA]  }
0x39: {  	_ = 	snop;
	(pc) =	sbr.ind lr, $3  }
0x3a: {  	_ = 	snop  }
0x3b: {  	_ = 	snop  }
0x3c: {  	p2 =	seq.s32 s10, $0x1;
	s10 =	sld [smem:$0x3FB9]  }
0x3d: {  	_ =	shalt  }
0x3e: {  	_ =	shalt  }
0x3f: {  	_ =	shalt  }
0x40: {  	_ =	shalt  }
0x41: {  	_ =	shalt  }
0x42: {  	_ =	shalt  }
0x43: {  	_ =	shalt  }
0x44: {  	_ =	shalt  }
0x45: {  	_ =	shalt  }
0x46: {  	_ =	shalt  }
0x47: {  	_ =	shalt  }
0x48: {  	_ =	shalt  }
0x49: {  	_ =	shalt  }
0x4a: {  	_ =	shalt  }
0x4b: {  	_ =	shalt  }
0x4c: {  	_ =	shalt  }
0x4d: {  	_ =	shalt  }
0x4e: {  	_ =	shalt  }
0x4f: {  	_ =	shalt  }
0x50: {  	_ =	shalt  }
0x51: {  	_ =	shalt  }
0x52: {  	_ =	shalt  }
0x53: {  	_ =	shalt  }
0x54: {  	_ =	shalt  }
0x55: {  	_ =	shalt  }
0x56: {  	_ =	shalt  }
0x57: {  	_ =	shalt  }
0x58: {  	_ =	shalt  }
0x59: {  	_ =	shalt  }
0x5a: {  	_ =	shalt  }
0x5b: {  	_ =	shalt  }
0x5c: {  	_ =	shalt  }
0x5d: {  	_ =	shalt  }
0x5e: {  	_ =	shalt  }
0x5f: {  	_ =	shalt  }
0x60: {  	_ =	shalt  }
0x61: {  	_ =	shalt  }
0x62: {  	_ =	shalt  }
0x63: {  	_ =	shalt  }
0x64: {  	_ =	shalt  }
0x65: {  	_ =	shalt  }
0x66: {  	_ =	shalt  }
0x67: {  	_ =	shalt  }
0x68: {  	_ =	shalt  }
0x69: {  	_ =	shalt  }
0x6a: {  	_ =	shalt  }
0x6b: {  	_ =	shalt  }
0x6c: {  	_ =	shalt  }
0x6d: {  	_ =	shalt  }
0x6e: {  	_ =	shalt  }
0x6f: {  	_ =	shalt  }
0x70: {  	_ =	shalt  }
0x71: {  	_ =	shalt  }
0x72: {  	_ =	shalt  }
0x73: {  	_ =	shalt  }
0x74: {  	_ =	shalt  }
0x75: {  	_ =	shalt  }
0x76: {  	_ =	shalt  }
0x77: {  	_ =	shalt  }
0x78: {  	_ =	shalt  }
0x79: {  	_ =	shalt  }
0x7a: {  	_ =	shalt  }
0x7b: {  	_ =	shalt  }
0x7c: {  	_ =	shalt  }
0x7d: {  	_ =	shalt  }
0x7e: {  	_ =	shalt  }
0x7f: {  	_ =	shalt  }
0x80: {  	_ =	shalt  }
0x81: {  	_ =	shalt  }
0x82: {  	_ =	shalt  }
0x83: {  	_ =	shalt  }
0x84: {  	_ =	shalt  }
0x85: {  	_ =	shalt  }
0x86: {  	_ =	shalt  }
0x87: {  	_ =	shalt  }
.Lfunc_end0:
.L_simem_size_0:
called_computation_lowered:
.L_overlay_start_0:
0x88: {  	s2 =	sld [smem:$0x3FD9]  }
0x89: {  	s3 =	sld [smem:$0x3FFE];
	_ =	sdelay $0x1  }
0x8a: {  	s1 =	srdreg.scid  }
0x8b: {  	s0 =	sand.u32 $0x1, s1  }
0x8c: {  	s17 =	sshll.u32 s0, $0xA;
	s2 =	sadd.s32 s3, s2  }
0x8d: {  	s2 =	sadd.s32 s2, s17  }
0x8e: {  	[smem:$0x3FC5] =	sst s2  }
0x8f: {  	_ = 	snop  }
0x90: {  	s2 =	sld [smem:$0x3FC7]  }
0x91: {  	s18 =	sld [smem:$0x3FD0];
	(tm) =	ssettm $0x1  }
0x92: {  	s4 =	sld [smem:$0x3FFB];
	_ =	sdelay $0x3  }
0x93: {  	_ =	strace s4  }
0x94: {  	s4 =	sld [smem:$0x3FFC];
	_ =	sdelay $0x3  }
0x95: {  	_ =	strace s4  }
0x96: {  	s4 =	sld [smem:$0x3FFD];
	_ =	sdelay $0x3  }
0x97: {  	_ =	strace s4  }
0x98: {  	_ =	strace $0x8FFFFFFF  }
0x99: {  	s19 =	sld [smem:$0x3FDB];
	_ =	sdelay $0x1  }
0x9a: {  	s5 =	simm.s32 $_scs_section_size  }
0x9b: {  	s6 =	simm.s32 $_size__tile_overlayer_lowered;
	s7 =	simm.s32 $_tile_overlayer_lowered  }
0x9c: {  	s22 =	simm.s32 $0x1BFF;
	s21 =	sshll.u32 s7, $0x1;
	s4 =	sadd.s32 s5, s19  }
0x9d: {  	s8 =	simm.s32 $0x0;
	s20 =	sshll.u32 s6, $0x1;
	s6 =	sadd.s32 s21, s4  }
0x9e: {  	[timem:s8], [sflag:s22] =	dma.local [hbm:s6], s20  }
0x9f: {  	_ =	swait.ge [sflag:s22], s20  }
0xa0: {  	s5 =	ssub.s32 $0x0, s20;
	[sflag:s22] =	ssyncset.done $0x0  }
0xa1: {  	[sflag:s22] =	ssyncadd.s32 s5;
	_ =	sdelay $0x1  }
0xa2: {  	s23 =	simm.s32 $0x1B8B  }
0xa3: {  	_ =	swait.ge [sflag:s23], $0x1  }
0xa4: {  	[sflag:s23] =	ssyncset.done $0x0  }
0xa5: {  	s25 =	simm.s32 $0x1B8E;
	s24 =	sld [smem:$0x3FFE];
	[sflag:s23] =	ssyncadd.s32 $0xFFFFFFFF  }
0xa6: {  	s26 =	simm.s32 $execute0_lowered;
	[smem:$0x3FD2] =	sst s25  }
0xa7: {  	s6 =	sshll.u32 s26, $0x1;
	_ =	strace $0x80000046;
	[dreg:$0x1] =	wrdreg $0xFFFFFFFF  }
0xa8: {  	s28 =	simm.s32 $_size_execute0_lowered;
	s4 =	sadd.s32 s4, s6;
	[dreg:$0x0] =	wrdreg $0x0  }
0xa9: {  	s6 =	sshll.u32 s28, $0x1;
	[dreg:$0x2] =	wrdreg s4  }
0xaa: {  	[dreg:$0x3] =	wrdreg s6  }
0xab: {  	[dreg:$0x4] =	wrdreg $0xC0  }
0xac: {  	_ =	task [dreg:s8], $0x5FFFF  }
0xad: {  	[dreg:$0x1] =	wrdreg $0xFFFFFFFF  }
0xae: {  	[dreg:$0x0] =	wrdreg $0x60  }
0xaf: {  	[dreg:$0x2] =	wrdreg s24  }
0xb0: {  	[dreg:$0x3] =	wrdreg s2  }
0xb1: {  	[dreg:$0x4] =	wrdreg s18  }
0xb2: {  	[dreg:$0x5] =	wrdreg $0x49600  }
0xb3: {  	[dreg:$0x6] =	wrdreg $0x9  }
0xb4: {  	_ =	task.clear_ibuf [dreg:s8], $0x7FFFF;
	_ =	strace $0x90000046  }
0xb5: {  	s29 =	simm.s32 $0x9;
	_ =	strace $0x80000048  }
0xb6: {  	_ =	swait.ge [sflag:s29], $0x1  }
0xb7: {  	[sflag:s29] =	ssyncadd.s32 $0xFFFFFFFF  }
0xb8: {  	_ =	strace $0x90000048  }
0xb9: {  	_ =	sfence  }
0xba: {  	s30 =	sld [smem:$0x0];
	_ =	sdelay $0x2  }
0xbb: {  	s31 =	sshll.u32 s1, $0xD;
	s1 =	sshrl.u32 s1, $0x2  }
0xbc: {  	s3 =	sand.u32 $0x4000, s31;
	s1 =	sadd.s32 s1, s30  }
0xbd: {  	s0 =	sor.u32 s3, s0;
	s1 =	sshll.u32 s1, $0x11  }
0xbe: {  	s0 =	sor.u32 s1, s0  }
0xbf: {  	s0 =	sadd.s32 $0x8F2B, s0  }
0xc0: {  	[sflag:s0] =	ssyncadd.remote.s32 $0x1  }
0xc1: {  	_ =	sfence.sel $0xFFFF  }
0xc2: {  	[dreg:$0x0] =	wrdreg $0xFFFFFFFF;
	(pc) =	sbr.abs _section_cstart, $3  }
0xc3: {  	[dreg:$0x1] =	wrdreg $0xFFFFFFFF  }
0xc4: {  	_ =	task.clear_ibuf [dreg:s8], $0x2FFFF;
	_ =	strace $0x9FFFFFFF  }
0xc5: {  	(tm) =	ssettm $0x7FFFFFFF  }
tec
execute0_lowered:
.L_overlay_start_1:
0x0: {  	(tag) =	ssettag $0x1  }
0x1: {  	s6 =	rddreg [dreg:$0x0]  }
0x2: {  	s0 =	rddreg [dreg:$0x1]  }
0x3: {  	s2 =	rddreg [dreg:$0x2]  }
0x4: {  	s3 =	rddreg [dreg:$0x3]  }
0x5: {  	v0 =	vimm.s32 $0x380;
	vm0 =	vcmask $0x300;
	s1 =	rddreg [dreg:$0x4];
	s7 =	srdreg.scid;
	s5 =	simm.s32 $0x0  }
0x6: {  	vm1 =	vcmask $0x704;
	vm2 =	vcmask $0xB08;
	s4 =	stileid.u32;
	v1 =	vimm.s32 $0xFFEDCBA9;
	s13 =	simm.s32 $0x400;
	s14 =	simm.s32 $0x4810  }
0x7: {  	v2 =	vimm.s32 $0x87654321;
	vm3 =	vcmask $0xF0C;
	vm5 =	vcmask $0x1714;
	s15 =	simm.s32 $0x10;
	s16 =	simm.s32 $0x800;
	s17 =	simm.s32 $0x810  }
0x8: {  	v5 =	vlaneseq.u32;
	vm6 =	vmmov $0x7f;
	vm7 =	vmmov $0x1;
	s18 =	simm.s32 $0x1;
	s19 =	simm.s32 $0x4820;
	s20 =	simm.s32 $0x4830  }
0x9: {  	vm9 =	vcmask $0x70C;
	vm11 =	vcmask $0xF14;
	vm12 =	vcmask $0x1318;
	s22 =	simm.s32 $0x4950;
	s23 =	simm.s32 $0x0;
	s11 =	sand.u32 $0x1, s7  }
0xa: {  	vm13 =	vcmask $0x171C;
	[smem:$0x7FF] =	sst s5;
	s29 =	sshll.u32 s4, $0x7;
	v1 =	vunpack.c.l.s4.s8 v1;
	v2 =	vunpack.c.l.s4.s8 v2;
	s12 =	sshll.u32 s4, $0x3  }
0xb: {  	vm15 =	vmmov $0x3f;
	v0 =	vsel vm0, $0x80, v0;
	v4 =	vmov s4;
	s31 =	sshll.u32 s4, $0x4;
	s8 =	ssub.s32 $0x2, s11;
	_ =	strace $0x80000047  }
.Ltmp0:
0xc: {  	v0 =	vsel vm1, $0x100, v0;
	s9 =	sadd.s32 s29, s6;
	s6 =	sadd.s32 $0x1A00, s6;
	v1 =	vunpack.c.0.s8.s32 v1;
	v2 =	vunpack.c.0.s8.s32 v2;
	(pc) =	sbr.rel .LBB2_1-.Ltmp0, $4  }
0xd: {  	s21 =	sor.u32 s4, s11;
	p0 =	sne.s32 s11, $0x0;
	s11 =	simm.s32 $0x4940;
	vm14 =	veq.s32 v4, v5;
	v4 =	vimm.s32 $0x0;
	v0 =	vsel vm2, $0x180, v0  }
0xe: {  	s30 =	sshrl.u32 s8, $0x1;
	s7 =	sadd.s32 $0xA00, s9;
	p1 =	sne.s32 s21, $0x0;
	v3 =	vsel vm3, $0x200, v0;
	vm3 =	vcmask $0x1310;
	v6 =	vcombine.low v2, v1  }
0xf: {  	s21 =	simm.s32 $0x4840;
	s10 =	ssub.s32 s8, s30;
	s8 =	sadd.s32 $0x1200, s9;
	v0 =	vmov s12;
	v3 =	vsel vm3, $0x280, v3;
	v2 =	vadd.s32 $0x1, v5  }
0x10: {  	s9 =	sadd.s32 s31, s3;
	s12 =	simm.s32 $0x2;
	s10 =	smax.u32 s10, $0x1;
	vm3 =	vmmov $0x3;
	v1 =	vsel vm5, $0x300, v3;
	v3 =	vand.u32 $0xF, v6  }
.LBB2_4:
0x11: {  	v29 =	vld [tilespmem:s24+$0xC10]  }
0x12: {  	v30 =	vld [tilespmem:s24+$0x1010];
	v27 =	vmax.f32 v27, $0.0e+00  }
0x13: {  	v25 =	vsub.f32 v25, v26;
	v28 =	vmax.f32 v28, $0.0e+00;
	v52 =	vsub.f32 v26, v24;
	v32 =	vld [tilespmem:s24+$0x1410]  }
0x14: {  	v31 =	vld [tilespmem:s24+$0x2410];
	vm4 =	vgt.f32 v7, $0.0e+00;
	v22 =	vsub.f32 v24, v22;
	v12 =	vmul.f32 v23, v12  }
0x15: {  	v53 =	vld [tilespmem:s24+$0x1810];
	v27 =	vmul.f32 v27, v27;
	v54 =	vsel vm4, $0x1, v4;
	v7 =	vmax.f32 v25, $0.0e+00  }
0x16: {  	v56 =	vld [tilespmem:s24+$0x1C10];
	v55 =	vmul.f32 v28, v28;
	(xrf0) =	vadd.scan.msk.s32 $0xffff, v54;
	v26 =	vmax.f32 v52, $0.0e+00;
	v7 =	vmul.f32 v7, v7  }
0x17: {  	v22 =	vmax.f32 v22, $0.0e+00;
	v15 =	vmul.f32 v29, v15;
	v16 =	vmul.f32 v30, v16  }
0x18: {  	v21 =	vadd.f32 v27, v21;
	v26 =	vmul.f32 v26, v26;
	v14 =	vmul.f32 v32, v14  }
0x19: {  	v18 =	vadd.f32 v55, v18;
	v57 =	vmul.f32 v22, v22;
	v15 =	vsub.f32 v15, v16  }
0x1a: {  	v13 =	vmul.f32 v31, v13;
	v11 =	vmul.f32 v53, v11;
	v16 =	vsub.f32 v16, v14  }
0x1b: {  	v7 =	vadd.f32 v7, v20;
	v10 =	vmul.f32 v56, v10;
	v15 =	vmax.f32 v15, $0.0e+00  }
0x1c: {  	v14 =	vsub.f32 v14, v11;
	v58, _, _ =	vpop (xrf0);
	v16 =	vmax.f32 v16, $0.0e+00;
	v15 =	vmul.f32 v15, v15  }
0x1d: {  	v17 =	vadd.f32 v26, v17;
	v59 =	vbroadcast v58, $0xF;
	v16 =	vmul.f32 v16, v16  }
0x1e: {  	v11 =	vsub.f32 v11, v10;
	v14 =	vmax.f32 v14, $0.0e+00;
	v15 =	vadd.f32 v15, v21  }
0x1f: {  	v14 =	vmul.f32 v14, v14;
	vm4 =	vgt.s32 v59, v2;
	v16 =	vadd.f32 v16, v18  }
0x20: {  	vm8 =	vmand vm4, vm15;
	vm4 =	vgt.s32 v5, v6;
	v5 =	vsub.f32 v10, v12;
	(xrf2) =	vadd.scan.msk.f32 $0xffff, v15  }
0x21: {  	v6 =	vmax.f32 v11, $0.0e+00;
	v7 =	vadd.f32 v14, v7;
	vm4 =	vmand vm4, vm8  }
0x22: {  	v6 =	vmul.f32 v6, v6;
	v60 =	vsel vm4, $0x1, v4;
	v5 =	vmax.f32 v5, $0.0e+00;
	(xrf2) =	vadd.scan.msk.f32 $0xffff, v16  }
0x23: {  	v9 =	vadd.f32 v57, v9;
	v61 =	vsub.f32 v12, v13;
	(xrf0) =	vadd.scan.msk.s32 $0xffff, v60;
	v5 =	vmul.f32 v5, v5  }
0x24: {  	v6 =	vadd.f32 v6, v17;
	(xrf2) =	vadd.scan.msk.f32 $0xffff, v7  }
0x25: {  	v7 =	vmax.f32 v61, $0.0e+00;
	v5 =	vadd.f32 v5, v9  }
0x26: {  	v8 =	vadd.f32 v19, v8;
	v7 =	vmul.f32 v7, v7;
	(xrf2) =	vadd.scan.msk.f32 $0xffff, v6;
	_ =	sdelay $0x1  }
0x27: {  	v6 =	vadd.f32 v7, v8;
	(xrf2) =	vadd.scan.msk.f32 $0xffff, v5  }
0x28: {  	(v2sf) =	vpush v58, $0xF;
	v5, _, _ =	vpop (xrf0)  }
0x29: {  	(v2sf) =	vpush v5, $0xF;
	v5, _, _ =	vpop (xrf2);
	(xrf2) =	vadd.scan.msk.f32 $0xffff, v6  }
0x2a: {  	(v2sf) =	vpush v5, $0xF  }
0x2b: {  	v5, _, _ =	vpop (xrf2)  }
0x2c: {  	(v2sf) =	vpush v5, $0xF  }
0x2d: {  	v5, _, _ =	vpop (xrf2)  }
0x2e: {  	(v2sf) =	vpush v5, $0xF  }
0x2f: {  	v5, _, _ =	vpop (xrf2)  }
0x30: {  	(v2sf) =	vpush v5, $0xF  }
0x31: {  	v5, _, _ =	vpop (xrf2)  }
0x32: {  	(v2sf) =	vpush v5, $0xF  }
0x33: {  	v5, _, _ =	vpop (xrf2)  }
0x34: {  	(v2sf) =	vpush v5, $0xF;
	_ =	sdelay $0x2  }
0x35: {  	s24 =	spop (v2sf)  }
0x36: {  	s25 =	spop (v2sf)  }
0x37: {  	s26 =	spop (v2sf)  }
0x38: {  	s26 =	smul.f32 $9.765625000e-04, s26  }
0x39: {  	s28 =	spop (v2sf)  }
0x3a: {  	v5 =	vld [tilespmem:$0x4940];
	s29 =	smul.f32 $9.765625000e-04, s28;
	v6 =	vmov s26  }
0x3b: {  	s30 =	spop (v2sf);
	v6 =	vnsel vm0, $0x0, v6  }
0x3c: {  	s31 =	smul.f32 $9.765625000e-04, s30;
	v7 =	vmov s29;
	v6 =	vadd.f32 $0.0e+00, v6  }
0x3d: {  	s29 =	spop (v2sf);
	v7 =	vnsel vm1, $0x0, v7  }
0x3e: {  	s30 =	smul.f32 $9.765625000e-04, s29;
	v6 =	vadd.f32 v7, v6;
	v7 =	vmov s31  }
0x3f: {  	v5 =	vnsel vm14, $0x0, v5;
	s31 =	spop (v2sf);
	v7 =	vnsel vm2, $0x0, v7  }
0x40: {  	vm10 =	vcmask $0xF0C;
	(xrf0) =	vadd.scan.msk.s32 $0xffff, v5;
	s29 =	smul.f32 $9.765625000e-04, s31;
	v5 =	vadd.f32 v7, v6;
	v6 =	vmov s30  }
0x41: {  	v6 =	vnsel vm10, $0x0, v6;
	s30 =	spop (v2sf)  }
0x42: {  	vm10 =	vcmask $0x1310;
	v5 =	vadd.f32 v6, v5;
	v6 =	vmov s29;
	s31 =	smul.f32 $9.765625000e-04, s30  }
0x43: {  	v6 =	vnsel vm10, $0x0, v6  }
0x44: {  	v5 =	vadd.f32 v6, v5;
	v6 =	vmov s31  }
0x45: {  	v6 =	vnsel vm5, $0x0, v6  }
0x46: {  	v7, _, _ =	vpop (xrf0);
	v5 =	vadd.f32 v6, v5  }
0x47: {  	(v2sf) =	vpush v7, $0xF  }
0x48: {  	v6 =	vsub.f32 $1.000000000e+00, v5  }
0x49: {  	v7 =	vsel vm8, $0x3F800000, v4  }
0x4a: {  	v62 =	vsel vm4, $0x3F800000, v4;
	v5 =	vmul.f32 v7, v5;
	v6 =	vmax.f32 v6, $0.0e+00  }
0x4b: {  	s28 =	scvt.s32.f32 s24;
	v6 =	vmul.f32 v62, v6  }
0x4c: {  	(xrf2) =	vadd.scan.msk.f32 $0xffff, v5  }
0x4d: {  	s26 =	sadd.f32 $-1.000000000e+00, s28;
	(xrf2) =	vadd.scan.msk.f32 $0xffff, v6;
	_ =	sdelay $0x1  }
0x4e: {  	s26 =	smax.f32 s26, $1.000000000e+00;
	s29 =	scvt.s32.f32 s25  }
0x4f: {  	v5 =	vmov s26  }
0x50: {  	s30 =	smax.f32 s29, $1.000000000e+00;
	v5 =	vnsel vm0, $0x3F800000, v5  }
0x51: {  	v5 =	vsel vm1, s30, v5  }
0x52: {  	(erf) = vrcp.f32 v5;
	_ =	sdelay $0x2  }
0x53: {  	p3 =	sgt.s32 s24, $0x1;
	s31 =	spop (v2sf);
	v5, _, _ =	vpop (xrf2)  }
0x54: {  	p4 =	sgt.s32 s25, $0x0;
	p2 =	seq.s32 s31, $0x1;
	p6 =	seq.s32 s31, $0x0;
	v6, _, _ =	vpop (xrf2)  }
0x55: {  	s24 =	simm.s32 $0x3F800000;
	p2 =	por !p3, !p2;
	p3 =	por !p4, !p6;
	v5 =	vbroadcast v5, $0xF;
	v6 =	vbroadcast v6, $0xF  }
0x56: {  	s25 =	simm.s32 $0x3F800000;
	p2 =	por !p2, !p2;
	p3 =	por !p3, !p3  }
0x57: {  	s24 =	simm.s32 @!p2 $0x0;
	s25 =	simm.s32 @!p3 $0x0;
	v5 =	vnsel vm7, $0x0, v5;
	v6 =	vnsel vm1, $0x0, v6  }
0x58: {  	v7 =	vmov s25;
	v5 =	vadd.f32 v6, v5;
	v6 =	vmov s24  }
0x59: {  	v63 =	vpop (erf);
	v7 =	vnsel vm1, $0x0, v7;
	v6 =	vnsel vm0, $0x0, v6  }
0x5a: {  	s24 =	sadd.f32 s25, s24;
	v5 =	vmul.f32 v5, v63;
	v6 =	vadd.f32 v7, v6;
	_ =	sdelay $0x1  }
0x5b: {  	v5 =	vmul.f32 v6, v5;
	v6 =	vmov s24  }
0x5c: {  	v6 =	vnsel vm2, $0x0, v6  }
0x5d: {  	v5 =	vadd.f32 v5, v6;
	_ =	sdelay $0x1  }
0x5e: {  	[tilespmem:$0x4830] =	vst v5  }
0x5f: {  	[spmem:s9] =	stream.linear.scatter [tilespmem:s20], [sflag:$0x2], $0x10, $0x38;
	[tilespmem:$0x4970] =	vst v63  }
0x60: {  	_ =	swait.ge [sflag:s12], $0x10  }
0x61: {  	[sflag:s12] =	ssyncset.done $0x0  }
0x62: {  	[sflag:s12] =	ssyncadd.s32 $0xFFFFFFF0  }
.LBB2_5:
0x63: {  	[bflag:$0x0] =	sbarrier.arrive $0xFFFF  }
0x64: {  	[tilespmem:s21], [sflag:$0x2] =	stream.linear.gather @!p1 [spmem:s3], $0x100, $0x38;
	[tilespmem:$0x4970] =	vst v63  }
0x65: {  	_ =	swait.ge @!p1 [sflag:s12], $0x100  }
0x66: {  	[sflag:s12] =	ssyncset.done @!p1 $0x0  }
0x67: {  	[sflag:s12] =	ssyncadd.s32 @!p1 $0xFFFFFF00  }
0x68: {  	v5 =	vld @!p1 [tilespmem:$0x4840];
	_ =	sdelay $0x1  }
0x69: {  	v6 =	vld @!p1 [tilespmem:$0x4850];
	_ =	sdelay $0x1  }
0x6a: {  	v7 =	vld @!p1 [tilespmem:$0x4860]  }
0x6b: {  	v5 =	vadd.f32 @!p1 $0.0e+00, v5  }
0x6c: {  	v8 =	vld @!p1 [tilespmem:$0x4870]  }
0x6d: {  	v5 =	vadd.f32 @!p1 v6, v5  }
0x6e: {  	v6 =	vld @!p1 [tilespmem:$0x4880]  }
0x6f: {  	v5 =	vadd.f32 @!p1 v7, v5  }
0x70: {  	v7 =	vld @!p1 [tilespmem:$0x4890]  }
0x71: {  	v5 =	vadd.f32 @!p1 v8, v5  }
0x72: {  	v8 =	vld @!p1 [tilespmem:$0x48A0]  }
0x73: {  	v5 =	vadd.f32 @!p1 v6, v5  }
0x74: {  	v6 =	vld @!p1 [tilespmem:$0x48B0]  }
0x75: {  	v5 =	vadd.f32 @!p1 v7, v5  }
0x76: {  	v7 =	vld @!p1 [tilespmem:$0x48C0]  }
0x77: {  	v5 =	vadd.f32 @!p1 v8, v5  }
0x78: {  	v8 =	vld @!p1 [tilespmem:$0x48D0]  }
0x79: {  	v5 =	vadd.f32 @!p1 v6, v5  }
0x7a: {  	v6 =	vld @!p1 [tilespmem:$0x48E0]  }
0x7b: {  	v5 =	vadd.f32 @!p1 v7, v5  }
0x7c: {  	v7 =	vld @!p1 [tilespmem:$0x48F0]  }
0x7d: {  	v5 =	vadd.f32 @!p1 v8, v5  }
0x7e: {  	v8 =	vld @!p1 [tilespmem:$0x4900]  }
0x7f: {  	v5 =	vadd.f32 @!p1 v6, v5  }
0x80: {  	v6 =	vld @!p1 [tilespmem:$0x4910]  }
0x81: {  	v5 =	vadd.f32 @!p1 v7, v5  }
0x82: {  	v7 =	vld @!p1 [tilespmem:$0x4920]  }
0x83: {  	v5 =	vadd.f32 @!p1 v8, v5  }
0x84: {  	v8 =	vld @!p1 [tilespmem:$0x4930]  }
0x85: {  	v5 =	vadd.f32 @!p1 v6, v5;
	_ =	sdelay $0x1  }
0x86: {  	v5 =	vadd.f32 @!p1 v7, v5;
	_ =	sdelay $0x1  }
0x87: {  	v5 =	vadd.f32 @!p1 v8, v5;
	_ =	sdelay $0x1  }
0x88: {  	v6 =	vnsel @!p1 vm3, $0x0, v5  }
0x89: {  	v5 =	vsel @!p1 vm9, $0x0, v5;
	(xrf2) =	vadd.scan.msk.f32 @!p1 $0xffff, v6  }
0x8a: {  	(xrf2) =	vadd.scan.msk.f32 @!p1 $0xffff, v5;
	_ =	sdelay $0x8  }
0x8b: {  	v5, _, _ =	vpop @!p1 (xrf2)  }
0x8c: {  	v6, _, _ =	vpop @!p1 (xrf2)  }
0x8d: {  	(v2sf) =	vpush @!p1 v6, $0xF;
	_ =	sdelay $0xe  }
0x8e: {  	s24 =	spop @!p1 (v2sf)  }
0x8f: {  	s24 =	sadd.f32 @!p1 $9.999999710e-10, s24;
	_ =	sdelay $0x1  }
0x90: {  	v6 =	vmov @!p1 s24  }
0x91: {  	v6 =	vnsel @!p1 vm0, $0x3F800000, v6  }
0x92: {  	(erf) = vrcp.f32 @!p1 v6;
	_ =	sdelay $0x6  }
0x93: {  	v5 =	vbroadcast @!p1 v5, $0xF;
	_ =	sdelay $0x1  }
0x94: {  	v5 =	vnsel @!p1 vm7, $0x0, v5;
	v6 =	vpop @!p1 (erf)  }
0x95: {  	s23 =	sadd.s32 $0x1, s23;
	v5 =	vmul.f32 @!p1 v6, v5  }
0x96: {  	p2 =	sne.s32 s23, s10  }
.Ltmp1:
0x97: {  	[tilespmem:$0x4950] =	vst @!p1 v5;
	(pc) =	sbr.rel @!p2 .LBB2_6-.Ltmp1, $4  }
0x98: {  	[hbm4b:s2+s5] =	stream.linear.scatter @!p1 [tilespmem:s22], [sflag:$0x2], $0x10, $0x38;
	[tilespmem:$0x4970] =	vst v63  }
0x99: {  	_ =	swait.ge @!p1 [sflag:s12], $0x10  }
0x9a: {  	[sflag:s12] =	ssyncset.done @!p1 $0x0  }
0x9b: {  	[sflag:s12] =	ssyncadd.s32 @!p1 $0xFFFFFFF0  }
.LBB2_1:
.Ltmp2:
0x9c: {  	(pc) =	sbr.rel @p0 .LBB2_5-.Ltmp2, $1  }
0x9d: {  	_ =	sdelay $0x3  }
0x9e: {  	[tilespmem:s11], [sflag:$0x2] =	stream.linear.gather [hbm4b:s0+s5], $0x10, $0x38;
	[tilespmem:$0x4970] =	vst v63  }
0x9f: {  	_ =	swait.ge [sflag:s12], $0x10  }
0xa0: {  	[sflag:s12] =	ssyncset.done $0x0  }
0xa1: {  	[sflag:s12] =	ssyncadd.s32 $0xFFFFFFF0  }
0xa2: {  	[tilespmem:s5], [sflag:$0x2] =	stream.linear.gather [hbm4b:s7+s5], $0x400, $0x38;
	[tilespmem:$0x4970] =	vst v63  }
0xa3: {  	_ =	swait.ge [sflag:s12], $0x400  }
0xa4: {  	[sflag:s12] =	ssyncset.done $0x0  }
0xa5: {  	[sflag:s12] =	ssyncadd.s32 $0xFFFFFC00  }
0xa6: {  	[tilespmem:s13], [sflag:$0x2] =	stream.linear.gather [hbm4b:s8+s5], $0x400, $0x38;
	[tilespmem:$0x4970] =	vst v63  }
0xa7: {  	_ =	swait.ge [sflag:s12], $0x400  }
0xa8: {  	[sflag:s12] =	ssyncset.done $0x0  }
0xa9: {  	[sflag:s12] =	ssyncadd.s32 $0xFFFFFC00  }
0xaa: {  	v5 =	vld.idx.msk [tilespmem:v1+s13+$0x0], $0xffff;
	_ =	sdelay $0x4  }
0xab: {  	v5 =	vshll.u32 v5, $0x3  }
0xac: {  	v6 =	vld.idx.msk [tilespmem:v1+s5+$0x0], $0xffff;
	v5 =	vor.u32 v2, v5  }
0xad: {  	v5 =	vnsel vm6, $0x40000000, v5  }
0xae: {  	v5 =	vxor.u32 $0x80000000, v5  }
0xaf: {  	(xrf1) =	vsort.ascd.msk.u32 $0xffff, v5, v2;
	_ =	sdelay $0x1  }
0xb0: {  	v7 =	vnsel vm6, $0x0, v6  }
0xb1: {  	v5 =	vmax.f32 v7, $1.000000000e+00  }
0xb2: {  	(erf) = vrcp.f32 v5;
	_ =	sdelay $0x8  }
0xb3: {  	v6 =	vpop (erf)  }
0xb4: {  	_, v5, _ =	vpop (xrf1)  }
0xb5: {  	[tilespmem:$0x4820] =	vst v6;
	v8 =	vnsel vm6, $0x0, v5  }
0xb6: {  	[tilespmem:$0x4810] =	vst v5;
	v9 =	vadd.s32 $0xFFFFFFFF, v5;
	v8 =	vadd.s32 v0, v8  }
0xb7: {  	v6 =	vld.idx.msk [tilespmem:v3+s14+$0x0], $0xffff;
	[tilespmem:$0x800] =	vst v8;
	v8 =	vand.u32 $0xF, v9  }
0xb8: {  	[tilespmem:s17], [sflag:$0x1] =	stream.indirect.gather [hbm4b:s6+s15], $0x400, s16, s15, $0xb8;
	[tilespmem:$0x4970] =	vst v63  }
0xb9: {  	_ =	swait.ge [sflag:s18], $0x4000  }
0xba: {  	[sflag:s18] =	ssyncset.done $0x0  }
0xbb: {  	[sflag:s18] =	ssyncadd.s32 $0xFFFFC000  }
0xbc: {  	v8 =	vld.idx.msk [tilespmem:v8+s19+$0x0], $0xffff;
	_ =	sdelay $0x4  }
0xbd: {  	vm4 =	vcmask $0x308;
	v9 =	vnsel vm7, $0x0, v8  }
0xbe: {  	(xrf2) =	vadd.scan.msk.f32 $0xffff, v9;
	v9 =	vsel vm4, $0x0, v8  }
0xbf: {  	vm4 =	vcmask $0xB10;
	(xrf2) =	vadd.scan.msk.f32 $0xffff, v9;
	v9 =	vsel vm9, $0x0, v8  }
0xc0: {  	(xrf2) =	vadd.scan.msk.f32 $0xffff, v9;
	v9 =	vsel vm4, $0x0, v8  }
0xc1: {  	(xrf2) =	vadd.scan.msk.f32 $0xffff, v9;
	v9 =	vsel vm11, $0x0, v8  }
0xc2: {  	(xrf2) =	vadd.scan.msk.f32 $0xffff, v9;
	v9 =	vsel vm12, $0x0, v8  }
0xc3: {  	v8 =	vsel vm13, $0x0, v8;
	(xrf2) =	vadd.scan.msk.f32 $0xffff, v9  }
0xc4: {  	(xrf2) =	vadd.scan.msk.f32 $0xffff, v8;
	_ =	sdelay $0x2  }
0xc5: {  	s24 =	simm.s32 $0xFFFFFC00  }
0xc6: {  	v17 =	vld [tilespmem:s24+$0x2010];
	v8, _, _ =	vpop (xrf2)  }
0xc7: {  	v18 =	vld [tilespmem:s24+$0x2410];
	v9, _, _ =	vpop (xrf2)  }
0xc8: {  	v20 =	vld [tilespmem:s24+$0xC10];
	v10, _, _ =	vpop (xrf2)  }
0xc9: {  	v15 =	vbroadcast v8, $0xF;
	v8 =	vld [tilespmem:s24+$0x1410];
	v11, _, _ =	vpop (xrf2)  }
0xca: {  	v21 =	vld [tilespmem:s24+$0x1010];
	v19, _, _ =	vpop (xrf2)  }
0xcb: {  	v23 =	vld [tilespmem:s24+$0x1C10];
	v16 =	vbroadcast v9, $0xF;
	v12, _, _ =	vpop (xrf2)  }
0xcc: {  	v9 =	vld [tilespmem:s24+$0x1810];
	v14 =	vbroadcast v10, $0xF;
	v11 =	vbroadcast v11, $0xF;
	v13, _, _ =	vpop (xrf2)  }
0xcd: {  	v12 =	vbroadcast v12, $0xF;
	v13 =	vbroadcast v13, $0xF  }
0xce: {  	v10 =	vbroadcast v19, $0xF;
	v25 =	vmul.f32 v8, v14  }
0xcf: {  	v22 =	vmul.f32 v17, v12;
	v17 =	vmul.f32 v18, v13  }
0xd0: {  	v8 =	vimm.f32 $0.0e+00;
	v18 =	vmul.f32 v20, v15;
	v20 =	vmul.f32 v21, v16  }
0xd1: {  	v26 =	vmul.f32 v9, v11;
	v24 =	vmul.f32 v23, v10;
	v17 =	vsub.f32 v22, v17  }
0xd2: {  	v21 =	vimm.f32 $0.0e+00;
	v27 =	vsub.f32 v18, v20;
	v28 =	vsub.f32 v20, v25  }
0xd3: {  	s24 =	simm.s32 $0xFFFFFC10;
	v18 =	vimm.f32 $0.0e+00;
	v20 =	vimm.f32 $0.0e+00;
	v9 =	vmax.f32 v17, $0.0e+00  }
0xd4: {  	s25 =	simm.s32 $0xFFFFF080;
	v23 =	vld [tilespmem:s24+$0x2010];
	v17 =	vimm.f32 $0.0e+00;
	v19 =	vmul.f32 v9, v9;
	v9 =	vimm.f32 $0.0e+00  }
.LBB2_3:
0xd5: {  	p2 =	sne.s32 s25, $0xFFFFFFC0;
	v29 =	vld [tilespmem:s24+$0x2410];
	v27 =	vmax.f32 v27, $0.0e+00;
	v25 =	vsub.f32 v25, v26  }
0xd6: {  	v28 =	vmax.f32 v28, $0.0e+00;
	v26 =	vsub.f32 v26, v24;
	v8 =	vadd.f32 v19, v8;
	v30 =	vld [tilespmem:s24+$0xC10]  }
0xd7: {  	v22 =	vsub.f32 v24, v22;
	v27 =	vmul.f32 v27, v27;
	v19 =	vld [tilespmem:s24+$0x1010];
	v25 =	vmax.f32 v25, $0.0e+00  }
0xd8: {  	v28 =	vmul.f32 v28, v28;
	v26 =	vmax.f32 v26, $0.0e+00;
	v24 =	vld [tilespmem:s24+$0x1410];
	v25 =	vmul.f32 v25, v25  }
0xd9: {  	v21 =	vadd.f32 v27, v21;
	v26 =	vmul.f32 v26, v26;
	v27 =	vmax.f32 v22, $0.0e+00;
	v31 =	vld [tilespmem:s24+$0x1810]  }
0xda: {  	v22 =	vmul.f32 v23, v12;
	v18 =	vadd.f32 v28, v18;
	v32 =	vld [tilespmem:s24+$0x1C10];
	v23 =	vmul.f32 v29, v13  }
.Ltmp3:
0xdb: {  	v27 =	vmul.f32 v27, v27;
	v20 =	vadd.f32 v25, v20;
	v28 =	vmul.f32 v30, v15;
	(pc) =	sbr.rel @p2 .LBB2_3-.Ltmp3, $4  }
0xdc: {  	v17 =	vadd.f32 v26, v17;
	v19 =	vmul.f32 v19, v16;
	v23 =	vsub.f32 v22, v23  }
0xdd: {  	v9 =	vadd.f32 v27, v9;
	v25 =	vmul.f32 v24, v14  }
0xde: {  	s24 =	sshra.s32 s25, $0x2;
	v26 =	vmul.f32 v31, v11;
	v27 =	vsub.f32 v28, v19;
	v29 =	vmax.f32 v23, $0.0e+00  }
0xdf: {  	s25 =	sadd.s32 $0x40, s25;
	v23 =	vld [tilespmem:s24+$0x2010];
	v24 =	vmul.f32 v32, v10;
	v28 =	vsub.f32 v19, v25;
	v19 =	vmul.f32 v29, v29  }
.Ltmp4:
0xe0: {  	_ = 	snop;
	(pc) =	sbr.rel .LBB2_4-.Ltmp4, $1  }
0xe1: {  	_ =	sdelay $0x3  }
.LBB2_6:
0xe2: {  	_ =	sfence.sel $0x180000  }
0xe3: {  	[bflag:$0x0] =	sbarrier.arrive $0xFFFF  }
0xe4: {  	p0 =	sne.s32 s4, $0x0;
	_ =	strace $0x90000047  }
0xe5: {  	s0 =	sadd.s32 @!p0 $0x100000, s1;
	[bflag:$0x2] =	sbarrier.arrive $0xFFFF  }
0xe6: {  	[sflag:s0] =	ssyncadd.tile.s32 @!p0 $0x1;
	_ =	shalt  }
.Lfunc_end2:
_tile_overlayer_lowered:
.L_overlay_start_2:
0xe7: {  	(tag) =	ssettag $0x2  }
0xe8: {  	s0 =	rddreg [dreg:$0x0];
	s2 =	stileid.u32  }
0xe9: {  	s1 =	rddreg [dreg:$0x1];
	p0 =	sne.s32 s2, $0x0  }
0xea: {  	s3 =	rddreg [dreg:$0x2];
	[bflag:$0x3] =	sbarrier.arrive $0xFFFF;
	s2 =	simm.s32 @!p0 $0x1C02  }
0xeb: {  	[timem:s3], [sflag:s2] =	dma.local @!p0 [hbm:s0], s1  }
0xec: {  	s0 =	simm.s32 @!p0 $0x2  }
0xed: {  	_ =	swait.ge @!p0 [sflag:s0], s1  }
0xee: {  	s1 =	ssub.s32 @!p0 $0x0, s1;
	[sflag:s0] =	ssyncset.done @!p0 $0x0  }
0xef: {  	[sflag:s0] =	ssyncadd.s32 @!p0 s1  }
0xf0: {  	[bflag:$0x3] =	sbarrier.arrive $0xFFFF  }
0xf1: {  	_ =	shalt  }

</sc_bundles>
